<compile_context>
chip_gen: v7x
topology: tpu7x:2x2x1
jax: 0.10.2.dev20260603
libtpu: 0.0.44.dev20260713+nightly
codegen_flags: <defaults>
</compile_context>

<pallas_src>
import functools

import jax
import jax.numpy as jnp
import numpy as np
from jax import lax
from jax.experimental import pallas as pl
from jax.experimental.pallas import tpu as pltpu
from jax.experimental.pallas import tpu_sc as plsc

NC = 2
NS = 16
NW = NC * NS
LANES = 16
CH = 128
NBUF = 2


def kernel(x, W0, W1, W2, W3):
    B, S = x.shape
    V, D = W0.shape
    n_bl = B // CH
    sub = D // 8

    xt = x.T.astype(jnp.int32)

    mesh = plsc.VectorSubcoreMesh(core_axis_name="c", subcore_axis_name="s")

    @functools.partial(
        pl.kernel,
        mesh=mesh,
        out_type=jax.ShapeDtypeStruct((S, 8, n_bl, sub, CH), jnp.float32),
        compiler_params=pltpu.CompilerParams(use_tc_tiling_on_sc=False,
                                             needs_layout_passes=False),
        scratch_types=[
            pltpu.VMEM((S, CH), jnp.int32),
            *([pltpu.VMEM((CH, D), jnp.float32)] * NBUF),
            *([pltpu.VMEM((8, sub, CH + 1), jnp.float32)] * NBUF),
            *([pltpu.SemaphoreType.DMA] * (NBUF * 2)),
        ],
    )
    def sc_avg(x_hbm, w0_hbm, w1_hbm, w2_hbm, w3_hbm, out_hbm,
               idx_v, ac0, ac1, ob0, ob1, gsem0, gsem1, ssem0, ssem1):
        wid = lax.axis_index("s") * NC + lax.axis_index("c")
        pltpu.sync_copy(x_hbm.at[:, pl.ds(wid * CH, CH)], idx_v)

        tabs = (w0_hbm, w1_hbm, w2_hbm, w3_hbm)
        accs = (ac0, ac1)
        obufs = (ob0, ob1)
        gsems = (gsem0, gsem1)
        ssems = (ssem0, ssem1)
        zeros = jnp.zeros((LANES,), jnp.float32)
        izeros = jnp.zeros((LANES,), jnp.int32)
        lane = lax.iota(jnp.int32, LANES)
        dlvec = lax.bitwise_and(lane, 7)
        rowbase = lax.shift_right_logical(lane, 3)
        rows = [rowbase + (2 * j) for j in range(D // LANES)]

        def zero_acc(ac):
            def zbody(i, carry):
                for j in range(D // LANES):
                    ac[i, pl.ds(j * LANES, LANES)] = zeros
                return carry
            lax.fori_loop(0, CH, zbody, 0, unroll=8)

        def fire(c, s):
            idx = idx_v.at[c]
            for t in range(4):
                pltpu.async_copy(tabs[t].at[idx], accs[s], gsems[s],
                                 add=True)

        for s in range(NBUF):
            zero_acc(accs[s])
            fire(s, s)

        def pair_body(p, carry):
            for s in range(NBUF):
                c = p * NBUF + s
                ac, ob = accs[s], obufs[s]
                idx0 = idx_v.at[0]
                for _ in range(4):
                    pltpu.make_async_copy(tabs[0].at[idx0], ac,
                                          gsems[s]).wait()

                @pl.when(c >= NBUF)
                def _():
                    pltpu.make_async_copy(
                        ob.at[:, :, pl.ds(0, CH)], out_hbm.at[0, :, 0],
                        ssems[s]).wait()

                def row_body(i, carry2):
                    cols = izeros + i
                    for j in range(D // LANES):
                        sl = pl.ds(j * LANES, LANES)
                        v = ac[i, sl]
                        ac[i, sl] = zeros
                        plsc.store_scatter(ob, [rows[j], dlvec, cols],
                                           v * 0.25)
                    return carry2

                lax.fori_loop(0, CH, row_body, 0, unroll=4)

                pltpu.make_async_copy(
                    ob.at[:, :, pl.ds(0, CH)], out_hbm.at[c, :, wid],
                    ssems[s]).start()

                @pl.when(c + NBUF < S)
                def _():
                    fire(c + NBUF, s)
            return carry

        lax.fori_loop(0, S // NBUF, pair_body, 0)
        for s in range(NBUF):
            pltpu.make_async_copy(
                obufs[s].at[:, :, pl.ds(0, CH)], out_hbm.at[0, :, 0],
                ssems[s]).wait()

    out5 = sc_avg(xt, W0, W1, W2, W3)
    out = out5.transpose(2, 4, 0, 1, 3).reshape(B, S, D)
    return out

# --- scband reference (transcript-rebuilt; emitter-appended) ---
"""Pipeline reference for scband-meta-embedding-avg-61899068670265 (READ-ONLY COPY).

The authoritative reference and input builder live on the scoring server;
editing this copy changes nothing except your own understanding.
"""

import jax, jax.numpy as jnp
import numpy as np

VOCAB = 100000
DIM = 64
N_TABLES = 4
BATCH = 4096
SEQ = 50

def setup_inputs(seed: int = 0) -> dict:
    key = jax.random.key(seed)
    k_x, k_w = jax.random.split(key)
    x = jax.random.randint(k_x, (BATCH, SEQ), 0, VOCAB, dtype=jnp.int64) if jax.config.read('jax_enable_x64') else jax.random.randint(k_x, (BATCH, SEQ), 0, VOCAB, dtype=jnp.int32)
    ws = {}
    for i in range(N_TABLES):
        ws['W%d' % i] = jax.random.normal(jax.random.fold_in(k_w, i), (VOCAB, DIM), dtype=jnp.float32) * 0.02
    out = {'x': x}
    out.update(ws)
    return out

def reference(x, W0, W1, W2, W3):
    tables = (W0, W1, W2, W3)
    sz_b, len_seq = x.shape
    xf = x.reshape(-1)
    # gather from each table: each lookup is [N, DIM]
    embed = jnp.stack([jnp.take(W, xf, axis=0) for W in tables], axis=-1)  # [N, DIM, T]
    embed = jnp.transpose(embed, (0, 2, 1))  # [N, T, DIM]
    embed = jnp.mean(embed, axis=-2)  # [N, DIM]
    embed = embed.reshape(sz_b, len_seq, -1)
    return embed

if __name__ == "__main__":
    import jax
    _d = setup_inputs()
    print(jax.jit(kernel)(*tuple(_d.values())))

</pallas_src>

<mosaic_0001>
#map = affine_map<(d0, d1) -> (0, 0)>
#map1 = affine_map<(d0, d1) -> (0, 0, 0, 0, 0)>
module attributes {stable_mosaic.version = 14 : i64} {
  func.func @sc_avg(%arg0: i32, %arg1: i32, %arg2: memref<50x4096xi32, #tpu.memory_space<hbm>>, %arg3: memref<100000x64xf32, #tpu.memory_space<hbm>>, %arg4: memref<100000x64xf32, #tpu.memory_space<hbm>>, %arg5: memref<100000x64xf32, #tpu.memory_space<hbm>>, %arg6: memref<100000x64xf32, #tpu.memory_space<hbm>>, %arg7: memref<50x8x32x8x128xf32, #tpu.memory_space<hbm>>, %arg8: memref<50x128xi32, #tpu.memory_space<vmem>>, %arg9: memref<128x64xf32, #tpu.memory_space<vmem>>, %arg10: memref<128x64xf32, #tpu.memory_space<vmem>>, %arg11: memref<8x8x129xf32, #tpu.memory_space<vmem>>, %arg12: memref<8x8x129xf32, #tpu.memory_space<vmem>>, %arg13: memref<!tpu.dma_semaphore, #tpu.memory_space<semaphore_mem>>, %arg14: memref<!tpu.dma_semaphore, #tpu.memory_space<semaphore_mem>>, %arg15: memref<!tpu.dma_semaphore, #tpu.memory_space<semaphore_mem>>, %arg16: memref<!tpu.dma_semaphore, #tpu.memory_space<semaphore_mem>>) attributes {dimension_semantics = [#tpu.dimension_semantics<core_parallel>, #tpu.dimension_semantics<subcore_parallel>], iteration_bounds = array<i64: 2, 16>, scalar_prefetch = 0 : i64, scratch_operands = 9 : i64, tpu.core_type = #tpu.core_type<sc_vector_subcore>, window_params = [{transform_indices = #map}, {transform_indices = #map}, {transform_indices = #map}, {transform_indices = #map}, {transform_indices = #map}, {transform_indices = #map1}]} {
    %mul3A = arith.constant 2 : i32
    %mul3A_0 = arith.muli %arg1, %mul3A : i32
    %add3A = arith.addi %mul3A_0, %arg0 : i32
    %mul3A_1 = arith.constant 128 : i32
    %mul3A_2 = arith.muli %add3A, %mul3A_1 : i32
    "tpu.region"() ({
      %run_scoped3A = tpu.sem_alloc : memref<!tpu.dma_semaphore, #tpu.memory_space<semaphore_mem>>
      %dma_start3A_133 = arith.constant 0 : i32
      %dma_start3A_134 = tpu.memref_slice %arg2[%dma_start3A_133, %mul3A_2] : memref<50x4096xi32, #tpu.memory_space<hbm>> -> memref<50x128xi32, #tpu.memory_space<hbm>>
      %dma_start3A_135 = arith.constant 0 : i32
      %dma_start3A_136 = tpu.memref_slice %arg2[%dma_start3A_135, %mul3A_2] : memref<50x4096xi32, #tpu.memory_space<hbm>> -> memref<50x128xi32, #tpu.memory_space<hbm>>
      tpu.enqueue_dma source(%dma_start3A_136 : memref<50x128xi32, #tpu.memory_space<hbm>>) target(%arg8 : memref<50x128xi32, #tpu.memory_space<vmem>>) target_semaphore(%run_scoped3A : memref<!tpu.dma_semaphore, #tpu.memory_space<semaphore_mem>>)
      %dma_wait3A_137 = arith.constant 0 : i32
      %dma_wait3A_138 = tpu.memref_slice %arg2[%dma_wait3A_137, %mul3A_2] : memref<50x4096xi32, #tpu.memory_space<hbm>> -> memref<50x128xi32, #tpu.memory_space<hbm>>
      %dma_wait3A_139 = arith.constant 0 : i32
      %dma_wait3A_140 = tpu.memref_slice %arg2[%dma_wait3A_139, %mul3A_2] : memref<50x4096xi32, #tpu.memory_space<hbm>> -> memref<50x128xi32, #tpu.memory_space<hbm>>
      tpu.wait_dma2 semaphore(%run_scoped3A : memref<!tpu.dma_semaphore, #tpu.memory_space<semaphore_mem>>) src(%dma_wait3A_140 : memref<50x128xi32, #tpu.memory_space<hbm>>) dst(%arg8 : memref<50x128xi32, #tpu.memory_space<vmem>>)
      tpu.yield
    }) : () -> ()
    %broadcast_in_dim3A = arith.constant 0.000000e+00 : f32
    %broadcast_in_dim3A_3 = vector.broadcast %broadcast_in_dim3A : f32 to vector<16xf32>
    %broadcast_in_dim3A_4 = arith.constant 0 : i32
    %broadcast_in_dim3A_5 = vector.broadcast %broadcast_in_dim3A_4 : i32 to vector<16xi32>
    %iota3A = tpu.iota {dimensions = array<i32: 0>} : vector<16xi32>
    %and3A = arith.constant 7 : i32
    %and3A_6 = vector.broadcast %and3A : i32 to vector<16xi32>
    %and3A_7 = arith.andi %iota3A, %and3A_6 : vector<16xi32>
    %shift_right_logical3A = arith.constant 3 : i32
    %shift_right_logical3A_8 = vector.broadcast %shift_right_logical3A : i32 to vector<16xi32>
    %shift_right_logical3A_9 = arith.shrui %iota3A, %shift_right_logical3A_8 : vector<16xi32>
    %add3A_10 = arith.constant 0 : i32
    %add3A_11 = vector.broadcast %add3A_10 : i32 to vector<16xi32>
    %add3A_12 = arith.addi %shift_right_logical3A_9, %add3A_11 : vector<16xi32>
    %add3A_13 = arith.constant 2 : i32
    %add3A_14 = vector.broadcast %add3A_13 : i32 to vector<16xi32>
    %add3A_15 = arith.addi %shift_right_logical3A_9, %add3A_14 : vector<16xi32>
    %add3A_16 = arith.constant 4 : i32
    %add3A_17 = vector.broadcast %add3A_16 : i32 to vector<16xi32>
    %add3A_18 = arith.addi %shift_right_logical3A_9, %add3A_17 : vector<16xi32>
    %add3A_19 = arith.constant 6 : i32
    %add3A_20 = vector.broadcast %add3A_19 : i32 to vector<16xi32>
    %add3A_21 = arith.addi %shift_right_logical3A_9, %add3A_20 : vector<16xi32>
    %scan3A = arith.constant 0 : i32
    %scan3A_22 = arith.constant 0 : i32
    %scan3A_23 = arith.constant 128 : i32
    %scan3A_24 = arith.addi %scan3A_22, %scan3A_23 : i32
    %scan3A_25 = arith.constant 8 : i32
    scf.for %scan3A_133 = %scan3A_22 to %scan3A_24 step %scan3A_25  : i32 {
      %swap3A = arith.index_cast %scan3A_133 : i32 to index
      %swap3A_134 = arith.constant 0 : index
      %swap3A_135 = tpu.vector_load %arg9[%swap3A, %swap3A_134] {strides = array<i32>} : memref<128x64xf32, #tpu.memory_space<vmem>>, vector<16xf32>,
      tpu.vector_store %arg9[%swap3A, %swap3A_134], %broadcast_in_dim3A_3 {strides = array<i32>} : memref<128x64xf32, #tpu.memory_space<vmem>>, vector<16xf32>,
      %swap3A_136 = arith.index_cast %scan3A_133 : i32 to index
      %swap3A_137 = arith.constant 16 : index
      %swap3A_138 = tpu.vector_load %arg9[%swap3A_136, %swap3A_137] {strides = array<i32>} : memref<128x64xf32, #tpu.memory_space<vmem>>, vector<16xf32>,
      tpu.vector_store %arg9[%swap3A_136, %swap3A_137], %broadcast_in_dim3A_3 {strides = array<i32>} : memref<128x64xf32, #tpu.memory_space<vmem>>, vector<16xf32>,
      %swap3A_139 = arith.index_cast %scan3A_133 : i32 to index
      %swap3A_140 = arith.constant 32 : index
      %swap3A_141 = tpu.vector_load %arg9[%swap3A_139, %swap3A_140] {strides = array<i32>} : memref<128x64xf32, #tpu.memory_space<vmem>>, vector<16xf32>,
      tpu.vector_store %arg9[%swap3A_139, %swap3A_140], %broadcast_in_dim3A_3 {strides = array<i32>} : memref<128x64xf32, #tpu.memory_space<vmem>>, vector<16xf32>,
      %swap3A_142 = arith.index_cast %scan3A_133 : i32 to index
      %swap3A_143 = arith.constant 48 : index
      %swap3A_144 = tpu.vector_load %arg9[%swap3A_142, %swap3A_143] {strides = array<i32>} : memref<128x64xf32, #tpu.memory_space<vmem>>, vector<16xf32>,
      tpu.vector_store %arg9[%swap3A_142, %swap3A_143], %broadcast_in_dim3A_3 {strides = array<i32>} : memref<128x64xf32, #tpu.memory_space<vmem>>, vector<16xf32>,
      %scan3A_145 = arith.constant 1 : i32
      %scan3A_146 = arith.addi %scan3A_133, %scan3A_145 : i32
      %swap3A_147 = arith.index_cast %scan3A_146 : i32 to index
      %swap3A_148 = arith.constant 0 : index
      %swap3A_149 = tpu.vector_load %arg9[%swap3A_147, %swap3A_148] {strides = array<i32>} : memref<128x64xf32, #tpu.memory_space<vmem>>, vector<16xf32>,
      tpu.vector_store %arg9[%swap3A_147, %swap3A_148], %broadcast_in_dim3A_3 {strides = array<i32>} : memref<128x64xf32, #tpu.memory_space<vmem>>, vector<16xf32>,
      %swap3A_150 = arith.index_cast %scan3A_146 : i32 to index
      %swap3A_151 = arith.constant 16 : index
      %swap3A_152 = tpu.vector_load %arg9[%swap3A_150, %swap3A_151] {strides = array<i32>} : memref<128x64xf32, #tpu.memory_space<vmem>>, vector<16xf32>,
      tpu.vector_store %arg9[%swap3A_150, %swap3A_151], %broadcast_in_dim3A_3 {strides = array<i32>} : memref<128x64xf32, #tpu.memory_space<vmem>>, vector<16xf32>,
      %swap3A_153 = arith.index_cast %scan3A_146 : i32 to index
      %swap3A_154 = arith.constant 32 : index
      %swap3A_155 = tpu.vector_load %arg9[%swap3A_153, %swap3A_154] {strides = array<i32>} : memref<128x64xf32, #tpu.memory_space<vmem>>, vector<16xf32>,
      tpu.vector_store %arg9[%swap3A_153, %swap3A_154], %broadcast_in_dim3A_3 {strides = array<i32>} : memref<128x64xf32, #tpu.memory_space<vmem>>, vector<16xf32>,
      %swap3A_156 = arith.index_cast %scan3A_146 : i32 to index
      %swap3A_157 = arith.constant 48 : index
      %swap3A_158 = tpu.vector_load %arg9[%swap3A_156, %swap3A_157] {strides = array<i32>} : memref<128x64xf32, #tpu.memory_space<vmem>>, vector<16xf32>,
      tpu.vector_store %arg9[%swap3A_156, %swap3A_157], %broadcast_in_dim3A_3 {strides = array<i32>} : memref<128x64xf32, #tpu.memory_space<vmem>>, vector<16xf32>,
      %scan3A_159 = arith.constant 2 : i32
      %scan3A_160 = arith.addi %scan3A_133, %scan3A_159 : i32
      %swap3A_161 = arith.index_cast %scan3A_160 : i32 to index
      %swap3A_162 = arith.constant 0 : index
      %swap3A_163 = tpu.vector_load %arg9[%swap3A_161, %swap3A_162] {strides = array<i32>} : memref<128x64xf32, #tpu.memory_space<vmem>>, vector<16xf32>,
      tpu.vector_store %arg9[%swap3A_161, %swap3A_162], %broadcast_in_dim3A_3 {strides = array<i32>} : memref<128x64xf32, #tpu.memory_space<vmem>>, vector<16xf32>,
      %swap3A_164 = arith.index_cast %scan3A_160 : i32 to index
      %swap3A_165 = arith.constant 16 : index
      %swap3A_166 = tpu.vector_load %arg9[%swap3A_164, %swap3A_165] {strides = array<i32>} : memref<128x64xf32, #tpu.memory_space<vmem>>, vector<16xf32>,
      tpu.vector_store %arg9[%swap3A_164, %swap3A_165], %broadcast_in_dim3A_3 {strides = array<i32>} : memref<128x64xf32, #tpu.memory_space<vmem>>, vector<16xf32>,
      %swap3A_167 = arith.index_cast %scan3A_160 : i32 to index
      %swap3A_168 = arith.constant 32 : index
      %swap3A_169 = tpu.vector_load %arg9[%swap3A_167, %swap3A_168] {strides = array<i32>} : memref<128x64xf32, #tpu.memory_space<vmem>>, vector<16xf32>,
      tpu.vector_store %arg9[%swap3A_167, %swap3A_168], %broadcast_in_dim3A_3 {strides = array<i32>} : memref<128x64xf32, #tpu.memory_space<vmem>>, vector<16xf32>,
      %swap3A_170 = arith.index_cast %scan3A_160 : i32 to index
      %swap3A_171 = arith.constant 48 : index
      %swap3A_172 = tpu.vector_load %arg9[%swap3A_170, %swap3A_171] {strides = array<i32>} : memref<128x64xf32, #tpu.memory_space<vmem>>, vector<16xf32>,
      tpu.vector_store %arg9[%swap3A_170, %swap3A_171], %broadcast_in_dim3A_3 {strides = array<i32>} : memref<128x64xf32, #tpu.memory_space<vmem>>, vector<16xf32>,
      %scan3A_173 = arith.constant 3 : i32
      %scan3A_174 = arith.addi %scan3A_133, %scan3A_173 : i32
      %swap3A_175 = arith.index_cast %scan3A_174 : i32 to index
      %swap3A_176 = arith.constant 0 : index
      %swap3A_177 = tpu.vector_load %arg9[%swap3A_175, %swap3A_176] {strides = array<i32>} : memref<128x64xf32, #tpu.memory_space<vmem>>, vector<16xf32>,
      tpu.vector_store %arg9[%swap3A_175, %swap3A_176], %broadcast_in_dim3A_3 {strides = array<i32>} : memref<128x64xf32, #tpu.memory_space<vmem>>, vector<16xf32>,
      %swap3A_178 = arith.index_cast %scan3A_174 : i32 to index
      %swap3A_179 = arith.constant 16 : index
      %swap3A_180 = tpu.vector_load %arg9[%swap3A_178, %swap3A_179] {strides = array<i32>} : memref<128x64xf32, #tpu.memory_space<vmem>>, vector<16xf32>,
      tpu.vector_store %arg9[%swap3A_178, %swap3A_179], %broadcast_in_dim3A_3 {strides = array<i32>} : memref<128x64xf32, #tpu.memory_space<vmem>>, vector<16xf32>,
      %swap3A_181 = arith.index_cast %scan3A_174 : i32 to index
      %swap3A_182 = arith.constant 32 : index
      %swap3A_183 = tpu.vector_load %arg9[%swap3A_181, %swap3A_182] {strides = array<i32>} : memref<128x64xf32, #tpu.memory_space<vmem>>, vector<16xf32>,
      tpu.vector_store %arg9[%swap3A_181, %swap3A_182], %broadcast_in_dim3A_3 {strides = array<i32>} : memref<128x64xf32, #tpu.memory_space<vmem>>, vector<16xf32>,
      %swap3A_184 = arith.index_cast %scan3A_174 : i32 to index
      %swap3A_185 = arith.constant 48 : index
      %swap3A_186 = tpu.vector_load %arg9[%swap3A_184, %swap3A_185] {strides = array<i32>} : memref<128x64xf32, #tpu.memory_space<vmem>>, vector<16xf32>,
      tpu.vector_store %arg9[%swap3A_184, %swap3A_185], %broadcast_in_dim3A_3 {strides = array<i32>} : memref<128x64xf32, #tpu.memory_space<vmem>>, vector<16xf32>,
      %scan3A_187 = arith.constant 4 : i32
      %scan3A_188 = arith.addi %scan3A_133, %scan3A_187 : i32
      %swap3A_189 = arith.index_cast %scan3A_188 : i32 to index
      %swap3A_190 = arith.constant 0 : index
      %swap3A_191 = tpu.vector_load %arg9[%swap3A_189, %swap3A_190] {strides = array<i32>} : memref<128x64xf32, #tpu.memory_space<vmem>>, vector<16xf32>,
      tpu.vector_store %arg9[%swap3A_189, %swap3A_190], %broadcast_in_dim3A_3 {strides = array<i32>} : memref<128x64xf32, #tpu.memory_space<vmem>>, vector<16xf32>,
      %swap3A_192 = arith.index_cast %scan3A_188 : i32 to index
      %swap3A_193 = arith.constant 16 : index
      %swap3A_194 = tpu.vector_load %arg9[%swap3A_192, %swap3A_193] {strides = array<i32>} : memref<128x64xf32, #tpu.memory_space<vmem>>, vector<16xf32>,
      tpu.vector_store %arg9[%swap3A_192, %swap3A_193], %broadcast_in_dim3A_3 {strides = array<i32>} : memref<128x64xf32, #tpu.memory_space<vmem>>, vector<16xf32>,
      %swap3A_195 = arith.index_cast %scan3A_188 : i32 to index
      %swap3A_196 = arith.constant 32 : index
      %swap3A_197 = tpu.vector_load %arg9[%swap3A_195, %swap3A_196] {strides = array<i32>} : memref<128x64xf32, #tpu.memory_space<vmem>>, vector<16xf32>,
      tpu.vector_store %arg9[%swap3A_195, %swap3A_196], %broadcast_in_dim3A_3 {strides = array<i32>} : memref<128x64xf32, #tpu.memory_space<vmem>>, vector<16xf32>,
      %swap3A_198 = arith.index_cast %scan3A_188 : i32 to index
      %swap3A_199 = arith.constant 48 : index
      %swap3A_200 = tpu.vector_load %arg9[%swap3A_198, %swap3A_199] {strides = array<i32>} : memref<128x64xf32, #tpu.memory_space<vmem>>, vector<16xf32>,
      tpu.vector_store %arg9[%swap3A_198, %swap3A_199], %broadcast_in_dim3A_3 {strides = array<i32>} : memref<128x64xf32, #tpu.memory_space<vmem>>, vector<16xf32>,
      %scan3A_201 = arith.constant 5 : i32
      %scan3A_202 = arith.addi %scan3A_133, %scan3A_201 : i32
      %swap3A_203 = arith.index_cast %scan3A_202 : i32 to index
      %swap3A_204 = arith.constant 0 : index
      %swap3A_205 = tpu.vector_load %arg9[%swap3A_203, %swap3A_204] {strides = array<i32>} : memref<128x64xf32, #tpu.memory_space<vmem>>, vector<16xf32>,
      tpu.vector_store %arg9[%swap3A_203, %swap3A_204], %broadcast_in_dim3A_3 {strides = array<i32>} : memref<128x64xf32, #tpu.memory_space<vmem>>, vector<16xf32>,
      %swap3A_206 = arith.index_cast %scan3A_202 : i32 to index
      %swap3A_207 = arith.constant 16 : index
      %swap3A_208 = tpu.vector_load %arg9[%swap3A_206, %swap3A_207] {strides = array<i32>} : memref<128x64xf32, #tpu.memory_space<vmem>>, vector<16xf32>,
      tpu.vector_store %arg9[%swap3A_206, %swap3A_207], %broadcast_in_dim3A_3 {strides = array<i32>} : memref<128x64xf32, #tpu.memory_space<vmem>>, vector<16xf32>,
      %swap3A_209 = arith.index_cast %scan3A_202 : i32 to index
      %swap3A_210 = arith.constant 32 : index
      %swap3A_211 = tpu.vector_load %arg9[%swap3A_209, %swap3A_210] {strides = array<i32>} : memref<128x64xf32, #tpu.memory_space<vmem>>, vector<16xf32>,
      tpu.vector_store %arg9[%swap3A_209, %swap3A_210], %broadcast_in_dim3A_3 {strides = array<i32>} : memref<128x64xf32, #tpu.memory_space<vmem>>, vector<16xf32>,
      %swap3A_212 = arith.index_cast %scan3A_202 : i32 to index
      %swap3A_213 = arith.constant 48 : index
      %swap3A_214 = tpu.vector_load %arg9[%swap3A_212, %swap3A_213] {strides = array<i32>} : memref<128x64xf32, #tpu.memory_space<vmem>>, vector<16xf32>,
      tpu.vector_store %arg9[%swap3A_212, %swap3A_213], %broadcast_in_dim3A_3 {strides = array<i32>} : memref<128x64xf32, #tpu.memory_space<vmem>>, vector<16xf32>,
      %scan3A_215 = arith.constant 6 : i32
      %scan3A_216 = arith.addi %scan3A_133, %scan3A_215 : i32
      %swap3A_217 = arith.index_cast %scan3A_216 : i32 to index
      %swap3A_218 = arith.constant 0 : index
      %swap3A_219 = tpu.vector_load %arg9[%swap3A_217, %swap3A_218] {strides = array<i32>} : memref<128x64xf32, #tpu.memory_space<vmem>>, vector<16xf32>,
      tpu.vector_store %arg9[%swap3A_217, %swap3A_218], %broadcast_in_dim3A_3 {strides = array<i32>} : memref<128x64xf32, #tpu.memory_space<vmem>>, vector<16xf32>,
      %swap3A_220 = arith.index_cast %scan3A_216 : i32 to index
      %swap3A_221 = arith.constant 16 : index
      %swap3A_222 = tpu.vector_load %arg9[%swap3A_220, %swap3A_221] {strides = array<i32>} : memref<128x64xf32, #tpu.memory_space<vmem>>, vector<16xf32>,
      tpu.vector_store %arg9[%swap3A_220, %swap3A_221], %broadcast_in_dim3A_3 {strides = array<i32>} : memref<128x64xf32, #tpu.memory_space<vmem>>, vector<16xf32>,
      %swap3A_223 = arith.index_cast %scan3A_216 : i32 to index
      %swap3A_224 = arith.constant 32 : index
      %swap3A_225 = tpu.vector_load %arg9[%swap3A_223, %swap3A_224] {strides = array<i32>} : memref<128x64xf32, #tpu.memory_space<vmem>>, vector<16xf32>,
      tpu.vector_store %arg9[%swap3A_223, %swap3A_224], %broadcast_in_dim3A_3 {strides = array<i32>} : memref<128x64xf32, #tpu.memory_space<vmem>>, vector<16xf32>,
      %swap3A_226 = arith.index_cast %scan3A_216 : i32 to index
      %swap3A_227 = arith.constant 48 : index
      %swap3A_228 = tpu.vector_load %arg9[%swap3A_226, %swap3A_227] {strides = array<i32>} : memref<128x64xf32, #tpu.memory_space<vmem>>, vector<16xf32>,
      tpu.vector_store %arg9[%swap3A_226, %swap3A_227], %broadcast_in_dim3A_3 {strides = array<i32>} : memref<128x64xf32, #tpu.memory_space<vmem>>, vector<16xf32>,
      %scan3A_229 = arith.constant 7 : i32
      %scan3A_230 = arith.addi %scan3A_133, %scan3A_229 : i32
      %swap3A_231 = arith.index_cast %scan3A_230 : i32 to index
      %swap3A_232 = arith.constant 0 : index
      %swap3A_233 = tpu.vector_load %arg9[%swap3A_231, %swap3A_232] {strides = array<i32>} : memref<128x64xf32, #tpu.memory_space<vmem>>, vector<16xf32>,
      tpu.vector_store %arg9[%swap3A_231, %swap3A_232], %broadcast_in_dim3A_3 {strides = array<i32>} : memref<128x64xf32, #tpu.memory_space<vmem>>, vector<16xf32>,
      %swap3A_234 = arith.index_cast %scan3A_230 : i32 to index
      %swap3A_235 = arith.constant 16 : index
      %swap3A_236 = tpu.vector_load %arg9[%swap3A_234, %swap3A_235] {strides = array<i32>} : memref<128x64xf32, #tpu.memory_space<vmem>>, vector<16xf32>,
      tpu.vector_store %arg9[%swap3A_234, %swap3A_235], %broadcast_in_dim3A_3 {strides = array<i32>} : memref<128x64xf32, #tpu.memory_space<vmem>>, vector<16xf32>,
      %swap3A_237 = arith.index_cast %scan3A_230 : i32 to index
      %swap3A_238 = arith.constant 32 : index
      %swap3A_239 = tpu.vector_load %arg9[%swap3A_237, %swap3A_238] {strides = array<i32>} : memref<128x64xf32, #tpu.memory_space<vmem>>, vector<16xf32>,
      tpu.vector_store %arg9[%swap3A_237, %swap3A_238], %broadcast_in_dim3A_3 {strides = array<i32>} : memref<128x64xf32, #tpu.memory_space<vmem>>, vector<16xf32>,
      %swap3A_240 = arith.index_cast %scan3A_230 : i32 to index
      %swap3A_241 = arith.constant 48 : index
      %swap3A_242 = tpu.vector_load %arg9[%swap3A_240, %swap3A_241] {strides = array<i32>} : memref<128x64xf32, #tpu.memory_space<vmem>>, vector<16xf32>,
      tpu.vector_store %arg9[%swap3A_240, %swap3A_241], %broadcast_in_dim3A_3 {strides = array<i32>} : memref<128x64xf32, #tpu.memory_space<vmem>>, vector<16xf32>,
    }
    %scan3A_26 = arith.constant 128 : i32
    %dma_start3A = arith.constant 0 : i32
    %dma_start3A_27 = arith.constant 0 : i32
    %dma_start3A_28 = tpu.memref_slice %arg8[%dma_start3A, %dma_start3A_27] : memref<50x128xi32, #tpu.memory_space<vmem>> -> memref<1x128xi32, #tpu.memory_space<vmem>>
    %dma_start3A_29 = tpu.memref_squeeze %dma_start3A_28 : memref<1x128xi32, #tpu.memory_space<vmem>> -> memref<128xi32, #tpu.memory_space<vmem>>
    %dma_start3A_30 = arith.constant 0 : i32
    %dma_start3A_31 = arith.constant 0 : i32
    %dma_start3A_32 = tpu.memref_slice %arg3[%dma_start3A_30, %dma_start3A_31] : memref<100000x64xf32, #tpu.memory_space<hbm>> -> memref<100000x64xf32, #tpu.memory_space<hbm>>
    tpu.enqueue_indirect_dma source(%dma_start3A_32 : memref<100000x64xf32, #tpu.memory_space<hbm>>) target(%arg9 : memref<128x64xf32, #tpu.memory_space<vmem>>) offsets(%dma_start3A_29 : memref<128xi32, #tpu.memory_space<vmem>>) semaphore(%arg13 : memref<!tpu.dma_semaphore, #tpu.memory_space<semaphore_mem>>) {add = true}
    %dma_start3A_33 = arith.constant 0 : i32
    %dma_start3A_34 = arith.constant 0 : i32
    %dma_start3A_35 = tpu.memref_slice %arg8[%dma_start3A_33, %dma_start3A_34] : memref<50x128xi32, #tpu.memory_space<vmem>> -> memref<1x128xi32, #tpu.memory_space<vmem>>
    %dma_start3A_36 = tpu.memref_squeeze %dma_start3A_35 : memref<1x128xi32, #tpu.memory_space<vmem>> -> memref<128xi32, #tpu.memory_space<vmem>>
    %dma_start3A_37 = arith.constant 0 : i32
    %dma_start3A_38 = arith.constant 0 : i32
    %dma_start3A_39 = tpu.memref_slice %arg4[%dma_start3A_37, %dma_start3A_38] : memref<100000x64xf32, #tpu.memory_space<hbm>> -> memref<100000x64xf32, #tpu.memory_space<hbm>>
    tpu.enqueue_indirect_dma source(%dma_start3A_39 : memref<100000x64xf32, #tpu.memory_space<hbm>>) target(%arg9 : memref<128x64xf32, #tpu.memory_space<vmem>>) offsets(%dma_start3A_36 : memref<128xi32, #tpu.memory_space<vmem>>) semaphore(%arg13 : memref<!tpu.dma_semaphore, #tpu.memory_space<semaphore_mem>>) {add = true}
    %dma_start3A_40 = arith.constant 0 : i32
    %dma_start3A_41 = arith.constant 0 : i32
    %dma_start3A_42 = tpu.memref_slice %arg8[%dma_start3A_40, %dma_start3A_41] : memref<50x128xi32, #tpu.memory_space<vmem>> -> memref<1x128xi32, #tpu.memory_space<vmem>>
    %dma_start3A_43 = tpu.memref_squeeze %dma_start3A_42 : memref<1x128xi32, #tpu.memory_space<vmem>> -> memref<128xi32, #tpu.memory_space<vmem>>
    %dma_start3A_44 = arith.constant 0 : i32
    %dma_start3A_45 = arith.constant 0 : i32
    %dma_start3A_46 = tpu.memref_slice %arg5[%dma_start3A_44, %dma_start3A_45] : memref<100000x64xf32, #tpu.memory_space<hbm>> -> memref<100000x64xf32, #tpu.memory_space<hbm>>
    tpu.enqueue_indirect_dma source(%dma_start3A_46 : memref<100000x64xf32, #tpu.memory_space<hbm>>) target(%arg9 : memref<128x64xf32, #tpu.memory_space<vmem>>) offsets(%dma_start3A_43 : memref<128xi32, #tpu.memory_space<vmem>>) semaphore(%arg13 : memref<!tpu.dma_semaphore, #tpu.memory_space<semaphore_mem>>) {add = true}
    %dma_start3A_47 = arith.constant 0 : i32
    %dma_start3A_48 = arith.constant 0 : i32
    %dma_start3A_49 = tpu.memref_slice %arg8[%dma_start3A_47, %dma_start3A_48] : memref<50x128xi32, #tpu.memory_space<vmem>> -> memref<1x128xi32, #tpu.memory_space<vmem>>
    %dma_start3A_50 = tpu.memref_squeeze %dma_start3A_49 : memref<1x128xi32, #tpu.memory_space<vmem>> -> memref<128xi32, #tpu.memory_space<vmem>>
    %dma_start3A_51 = arith.constant 0 : i32
    %dma_start3A_52 = arith.constant 0 : i32
    %dma_start3A_53 = tpu.memref_slice %arg6[%dma_start3A_51, %dma_start3A_52] : memref<100000x64xf32, #tpu.memory_space<hbm>> -> memref<100000x64xf32, #tpu.memory_space<hbm>>
    tpu.enqueue_indirect_dma source(%dma_start3A_53 : memref<100000x64xf32, #tpu.memory_space<hbm>>) target(%arg9 : memref<128x64xf32, #tpu.memory_space<vmem>>) offsets(%dma_start3A_50 : memref<128xi32, #tpu.memory_space<vmem>>) semaphore(%arg13 : memref<!tpu.dma_semaphore, #tpu.memory_space<semaphore_mem>>) {add = true}
    %scan3A_54 = arith.constant 0 : i32
    %scan3A_55 = arith.constant 0 : i32
    %scan3A_56 = arith.constant 128 : i32
    %scan3A_57 = arith.addi %scan3A_55, %scan3A_56 : i32
    %scan3A_58 = arith.constant 8 : i32
    scf.for %scan3A_133 = %scan3A_55 to %scan3A_57 step %scan3A_58  : i32 {
      %swap3A = arith.index_cast %scan3A_133 : i32 to index
      %swap3A_134 = arith.constant 0 : index
      %swap3A_135 = tpu.vector_load %arg10[%swap3A, %swap3A_134] {strides = array<i32>} : memref<128x64xf32, #tpu.memory_space<vmem>>, vector<16xf32>,
      tpu.vector_store %arg10[%swap3A, %swap3A_134], %broadcast_in_dim3A_3 {strides = array<i32>} : memref<128x64xf32, #tpu.memory_space<vmem>>, vector<16xf32>,
      %swap3A_136 = arith.index_cast %scan3A_133 : i32 to index
      %swap3A_137 = arith.constant 16 : index
      %swap3A_138 = tpu.vector_load %arg10[%swap3A_136, %swap3A_137] {strides = array<i32>} : memref<128x64xf32, #tpu.memory_space<vmem>>, vector<16xf32>,
      tpu.vector_store %arg10[%swap3A_136, %swap3A_137], %broadcast_in_dim3A_3 {strides = array<i32>} : memref<128x64xf32, #tpu.memory_space<vmem>>, vector<16xf32>,
      %swap3A_139 = arith.index_cast %scan3A_133 : i32 to index
      %swap3A_140 = arith.constant 32 : index
      %swap3A_141 = tpu.vector_load %arg10[%swap3A_139, %swap3A_140] {strides = array<i32>} : memref<128x64xf32, #tpu.memory_space<vmem>>, vector<16xf32>,
      tpu.vector_store %arg10[%swap3A_139, %swap3A_140], %broadcast_in_dim3A_3 {strides = array<i32>} : memref<128x64xf32, #tpu.memory_space<vmem>>, vector<16xf32>,
      %swap3A_142 = arith.index_cast %scan3A_133 : i32 to index
      %swap3A_143 = arith.constant 48 : index
      %swap3A_144 = tpu.vector_load %arg10[%swap3A_142, %swap3A_143] {strides = array<i32>} : memref<128x64xf32, #tpu.memory_space<vmem>>, vector<16xf32>,
      tpu.vector_store %arg10[%swap3A_142, %swap3A_143], %broadcast_in_dim3A_3 {strides = array<i32>} : memref<128x64xf32, #tpu.memory_space<vmem>>, vector<16xf32>,
      %scan3A_145 = arith.constant 1 : i32
      %scan3A_146 = arith.addi %scan3A_133, %scan3A_145 : i32
      %swap3A_147 = arith.index_cast %scan3A_146 : i32 to index
      %swap3A_148 = arith.constant 0 : index
      %swap3A_149 = tpu.vector_load %arg10[%swap3A_147, %swap3A_148] {strides = array<i32>} : memref<128x64xf32, #tpu.memory_space<vmem>>, vector<16xf32>,
      tpu.vector_store %arg10[%swap3A_147, %swap3A_148], %broadcast_in_dim3A_3 {strides = array<i32>} : memref<128x64xf32, #tpu.memory_space<vmem>>, vector<16xf32>,
      %swap3A_150 = arith.index_cast %scan3A_146 : i32 to index
      %swap3A_151 = arith.constant 16 : index
      %swap3A_152 = tpu.vector_load %arg10[%swap3A_150, %swap3A_151] {strides = array<i32>} : memref<128x64xf32, #tpu.memory_space<vmem>>, vector<16xf32>,
      tpu.vector_store %arg10[%swap3A_150, %swap3A_151], %broadcast_in_dim3A_3 {strides = array<i32>} : memref<128x64xf32, #tpu.memory_space<vmem>>, vector<16xf32>,
      %swap3A_153 = arith.index_cast %scan3A_146 : i32 to index
      %swap3A_154 = arith.constant 32 : index
      %swap3A_155 = tpu.vector_load %arg10[%swap3A_153, %swap3A_154] {strides = array<i32>} : memref<128x64xf32, #tpu.memory_space<vmem>>, vector<16xf32>,
      tpu.vector_store %arg10[%swap3A_153, %swap3A_154], %broadcast_in_dim3A_3 {strides = array<i32>} : memref<128x64xf32, #tpu.memory_space<vmem>>, vector<16xf32>,
      %swap3A_156 = arith.index_cast %scan3A_146 : i32 to index
      %swap3A_157 = arith.constant 48 : index
      %swap3A_158 = tpu.vector_load %arg10[%swap3A_156, %swap3A_157] {strides = array<i32>} : memref<128x64xf32, #tpu.memory_space<vmem>>, vector<16xf32>,
      tpu.vector_store %arg10[%swap3A_156, %swap3A_157], %broadcast_in_dim3A_3 {strides = array<i32>} : memref<128x64xf32, #tpu.memory_space<vmem>>, vector<16xf32>,
      %scan3A_159 = arith.constant 2 : i32
      %scan3A_160 = arith.addi %scan3A_133, %scan3A_159 : i32
      %swap3A_161 = arith.index_cast %scan3A_160 : i32 to index
      %swap3A_162 = arith.constant 0 : index
      %swap3A_163 = tpu.vector_load %arg10[%swap3A_161, %swap3A_162] {strides = array<i32>} : memref<128x64xf32, #tpu.memory_space<vmem>>, vector<16xf32>,
      tpu.vector_store %arg10[%swap3A_161, %swap3A_162], %broadcast_in_dim3A_3 {strides = array<i32>} : memref<128x64xf32, #tpu.memory_space<vmem>>, vector<16xf32>,
      %swap3A_164 = arith.index_cast %scan3A_160 : i32 to index
      %swap3A_165 = arith.constant 16 : index
      %swap3A_166 = tpu.vector_load %arg10[%swap3A_164, %swap3A_165] {strides = array<i32>} : memref<128x64xf32, #tpu.memory_space<vmem>>, vector<16xf32>,
      tpu.vector_store %arg10[%swap3A_164, %swap3A_165], %broadcast_in_dim3A_3 {strides = array<i32>} : memref<128x64xf32, #tpu.memory_space<vmem>>, vector<16xf32>,
      %swap3A_167 = arith.index_cast %scan3A_160 : i32 to index
      %swap3A_168 = arith.constant 32 : index
      %swap3A_169 = tpu.vector_load %arg10[%swap3A_167, %swap3A_168] {strides = array<i32>} : memref<128x64xf32, #tpu.memory_space<vmem>>, vector<16xf32>,
      tpu.vector_store %arg10[%swap3A_167, %swap3A_168], %broadcast_in_dim3A_3 {strides = array<i32>} : memref<128x64xf32, #tpu.memory_space<vmem>>, vector<16xf32>,
      %swap3A_170 = arith.index_cast %scan3A_160 : i32 to index
      %swap3A_171 = arith.constant 48 : index
      %swap3A_172 = tpu.vector_load %arg10[%swap3A_170, %swap3A_171] {strides = array<i32>} : memref<128x64xf32, #tpu.memory_space<vmem>>, vector<16xf32>,
      tpu.vector_store %arg10[%swap3A_170, %swap3A_171], %broadcast_in_dim3A_3 {strides = array<i32>} : memref<128x64xf32, #tpu.memory_space<vmem>>, vector<16xf32>,
      %scan3A_173 = arith.constant 3 : i32
      %scan3A_174 = arith.addi %scan3A_133, %scan3A_173 : i32
      %swap3A_175 = arith.index_cast %scan3A_174 : i32 to index
      %swap3A_176 = arith.constant 0 : index
      %swap3A_177 = tpu.vector_load %arg10[%swap3A_175, %swap3A_176] {strides = array<i32>} : memref<128x64xf32, #tpu.memory_space<vmem>>, vector<16xf32>,
      tpu.vector_store %arg10[%swap3A_175, %swap3A_176], %broadcast_in_dim3A_3 {strides = array<i32>} : memref<128x64xf32, #tpu.memory_space<vmem>>, vector<16xf32>,
      %swap3A_178 = arith.index_cast %scan3A_174 : i32 to index
      %swap3A_179 = arith.constant 16 : index
      %swap3A_180 = tpu.vector_load %arg10[%swap3A_178, %swap3A_179] {strides = array<i32>} : memref<128x64xf32, #tpu.memory_space<vmem>>, vector<16xf32>,
      tpu.vector_store %arg10[%swap3A_178, %swap3A_179], %broadcast_in_dim3A_3 {strides = array<i32>} : memref<128x64xf32, #tpu.memory_space<vmem>>, vector<16xf32>,
      %swap3A_181 = arith.index_cast %scan3A_174 : i32 to index
      %swap3A_182 = arith.constant 32 : index
      %swap3A_183 = tpu.vector_load %arg10[%swap3A_181, %swap3A_182] {strides = array<i32>} : memref<128x64xf32, #tpu.memory_space<vmem>>, vector<16xf32>,
      tpu.vector_store %arg10[%swap3A_181, %swap3A_182], %broadcast_in_dim3A_3 {strides = array<i32>} : memref<128x64xf32, #tpu.memory_space<vmem>>, vector<16xf32>,
      %swap3A_184 = arith.index_cast %scan3A_174 : i32 to index
      %swap3A_185 = arith.constant 48 : index
      %swap3A_186 = tpu.vector_load %arg10[%swap3A_184, %swap3A_185] {strides = array<i32>} : memref<128x64xf32, #tpu.memory_space<vmem>>, vector<16xf32>,
      tpu.vector_store %arg10[%swap3A_184, %swap3A_185], %broadcast_in_dim3A_3 {strides = array<i32>} : memref<128x64xf32, #tpu.memory_space<vmem>>, vector<16xf32>,
      %scan3A_187 = arith.constant 4 : i32
      %scan3A_188 = arith.addi %scan3A_133, %scan3A_187 : i32
      %swap3A_189 = arith.index_cast %scan3A_188 : i32 to index
      %swap3A_190 = arith.constant 0 : index
      %swap3A_191 = tpu.vector_load %arg10[%swap3A_189, %swap3A_190] {strides = array<i32>} : memref<128x64xf32, #tpu.memory_space<vmem>>, vector<16xf32>,
      tpu.vector_store %arg10[%swap3A_189, %swap3A_190], %broadcast_in_dim3A_3 {strides = array<i32>} : memref<128x64xf32, #tpu.memory_space<vmem>>, vector<16xf32>,
      %swap3A_192 = arith.index_cast %scan3A_188 : i32 to index
      %swap3A_193 = arith.constant 16 : index
      %swap3A_194 = tpu.vector_load %arg10[%swap3A_192, %swap3A_193] {strides = array<i32>} : memref<128x64xf32, #tpu.memory_space<vmem>>, vector<16xf32>,
      tpu.vector_store %arg10[%swap3A_192, %swap3A_193], %broadcast_in_dim3A_3 {strides = array<i32>} : memref<128x64xf32, #tpu.memory_space<vmem>>, vector<16xf32>,
      %swap3A_195 = arith.index_cast %scan3A_188 : i32 to index
      %swap3A_196 = arith.constant 32 : index
      %swap3A_197 = tpu.vector_load %arg10[%swap3A_195, %swap3A_196] {strides = array<i32>} : memref<128x64xf32, #tpu.memory_space<vmem>>, vector<16xf32>,
      tpu.vector_store %arg10[%swap3A_195, %swap3A_196], %broadcast_in_dim3A_3 {strides = array<i32>} : memref<128x64xf32, #tpu.memory_space<vmem>>, vector<16xf32>,
      %swap3A_198 = arith.index_cast %scan3A_188 : i32 to index
      %swap3A_199 = arith.constant 48 : index
      %swap3A_200 = tpu.vector_load %arg10[%swap3A_198, %swap3A_199] {strides = array<i32>} : memref<128x64xf32, #tpu.memory_space<vmem>>, vector<16xf32>,
      tpu.vector_store %arg10[%swap3A_198, %swap3A_199], %broadcast_in_dim3A_3 {strides = array<i32>} : memref<128x64xf32, #tpu.memory_space<vmem>>, vector<16xf32>,
      %scan3A_201 = arith.constant 5 : i32
      %scan3A_202 = arith.addi %scan3A_133, %scan3A_201 : i32
      %swap3A_203 = arith.index_cast %scan3A_202 : i32 to index
      %swap3A_204 = arith.constant 0 : index
      %swap3A_205 = tpu.vector_load %arg10[%swap3A_203, %swap3A_204] {strides = array<i32>} : memref<128x64xf32, #tpu.memory_space<vmem>>, vector<16xf32>,
      tpu.vector_store %arg10[%swap3A_203, %swap3A_204], %broadcast_in_dim3A_3 {strides = array<i32>} : memref<128x64xf32, #tpu.memory_space<vmem>>, vector<16xf32>,
      %swap3A_206 = arith.index_cast %scan3A_202 : i32 to index
      %swap3A_207 = arith.constant 16 : index
      %swap3A_208 = tpu.vector_load %arg10[%swap3A_206, %swap3A_207] {strides = array<i32>} : memref<128x64xf32, #tpu.memory_space<vmem>>, vector<16xf32>,
      tpu.vector_store %arg10[%swap3A_206, %swap3A_207], %broadcast_in_dim3A_3 {strides = array<i32>} : memref<128x64xf32, #tpu.memory_space<vmem>>, vector<16xf32>,
      %swap3A_209 = arith.index_cast %scan3A_202 : i32 to index
      %swap3A_210 = arith.constant 32 : index
      %swap3A_211 = tpu.vector_load %arg10[%swap3A_209, %swap3A_210] {strides = array<i32>} : memref<128x64xf32, #tpu.memory_space<vmem>>, vector<16xf32>,
      tpu.vector_store %arg10[%swap3A_209, %swap3A_210], %broadcast_in_dim3A_3 {strides = array<i32>} : memref<128x64xf32, #tpu.memory_space<vmem>>, vector<16xf32>,
      %swap3A_212 = arith.index_cast %scan3A_202 : i32 to index
      %swap3A_213 = arith.constant 48 : index
      %swap3A_214 = tpu.vector_load %arg10[%swap3A_212, %swap3A_213] {strides = array<i32>} : memref<128x64xf32, #tpu.memory_space<vmem>>, vector<16xf32>,
      tpu.vector_store %arg10[%swap3A_212, %swap3A_213], %broadcast_in_dim3A_3 {strides = array<i32>} : memref<128x64xf32, #tpu.memory_space<vmem>>, vector<16xf32>,
      %scan3A_215 = arith.constant 6 : i32
      %scan3A_216 = arith.addi %scan3A_133, %scan3A_215 : i32
      %swap3A_217 = arith.index_cast %scan3A_216 : i32 to index
      %swap3A_218 = arith.constant 0 : index
      %swap3A_219 = tpu.vector_load %arg10[%swap3A_217, %swap3A_218] {strides = array<i32>} : memref<128x64xf32, #tpu.memory_space<vmem>>, vector<16xf32>,
      tpu.vector_store %arg10[%swap3A_217, %swap3A_218], %broadcast_in_dim3A_3 {strides = array<i32>} : memref<128x64xf32, #tpu.memory_space<vmem>>, vector<16xf32>,
      %swap3A_220 = arith.index_cast %scan3A_216 : i32 to index
      %swap3A_221 = arith.constant 16 : index
      %swap3A_222 = tpu.vector_load %arg10[%swap3A_220, %swap3A_221] {strides = array<i32>} : memref<128x64xf32, #tpu.memory_space<vmem>>, vector<16xf32>,
      tpu.vector_store %arg10[%swap3A_220, %swap3A_221], %broadcast_in_dim3A_3 {strides = array<i32>} : memref<128x64xf32, #tpu.memory_space<vmem>>, vector<16xf32>,
      %swap3A_223 = arith.index_cast %scan3A_216 : i32 to index
      %swap3A_224 = arith.constant 32 : index
      %swap3A_225 = tpu.vector_load %arg10[%swap3A_223, %swap3A_224] {strides = array<i32>} : memref<128x64xf32, #tpu.memory_space<vmem>>, vector<16xf32>,
      tpu.vector_store %arg10[%swap3A_223, %swap3A_224], %broadcast_in_dim3A_3 {strides = array<i32>} : memref<128x64xf32, #tpu.memory_space<vmem>>, vector<16xf32>,
      %swap3A_226 = arith.index_cast %scan3A_216 : i32 to index
      %swap3A_227 = arith.constant 48 : index
      %swap3A_228 = tpu.vector_load %arg10[%swap3A_226, %swap3A_227] {strides = array<i32>} : memref<128x64xf32, #tpu.memory_space<vmem>>, vector<16xf32>,
      tpu.vector_store %arg10[%swap3A_226, %swap3A_227], %broadcast_in_dim3A_3 {strides = array<i32>} : memref<128x64xf32, #tpu.memory_space<vmem>>, vector<16xf32>,
      %scan3A_229 = arith.constant 7 : i32
      %scan3A_230 = arith.addi %scan3A_133, %scan3A_229 : i32
      %swap3A_231 = arith.index_cast %scan3A_230 : i32 to index
      %swap3A_232 = arith.constant 0 : index
      %swap3A_233 = tpu.vector_load %arg10[%swap3A_231, %swap3A_232] {strides = array<i32>} : memref<128x64xf32, #tpu.memory_space<vmem>>, vector<16xf32>,
      tpu.vector_store %arg10[%swap3A_231, %swap3A_232], %broadcast_in_dim3A_3 {strides = array<i32>} : memref<128x64xf32, #tpu.memory_space<vmem>>, vector<16xf32>,
      %swap3A_234 = arith.index_cast %scan3A_230 : i32 to index
      %swap3A_235 = arith.constant 16 : index
      %swap3A_236 = tpu.vector_load %arg10[%swap3A_234, %swap3A_235] {strides = array<i32>} : memref<128x64xf32, #tpu.memory_space<vmem>>, vector<16xf32>,
      tpu.vector_store %arg10[%swap3A_234, %swap3A_235], %broadcast_in_dim3A_3 {strides = array<i32>} : memref<128x64xf32, #tpu.memory_space<vmem>>, vector<16xf32>,
      %swap3A_237 = arith.index_cast %scan3A_230 : i32 to index
      %swap3A_238 = arith.constant 32 : index
      %swap3A_239 = tpu.vector_load %arg10[%swap3A_237, %swap3A_238] {strides = array<i32>} : memref<128x64xf32, #tpu.memory_space<vmem>>, vector<16xf32>,
      tpu.vector_store %arg10[%swap3A_237, %swap3A_238], %broadcast_in_dim3A_3 {strides = array<i32>} : memref<128x64xf32, #tpu.memory_space<vmem>>, vector<16xf32>,
      %swap3A_240 = arith.index_cast %scan3A_230 : i32 to index
      %swap3A_241 = arith.constant 48 : index
      %swap3A_242 = tpu.vector_load %arg10[%swap3A_240, %swap3A_241] {strides = array<i32>} : memref<128x64xf32, #tpu.memory_space<vmem>>, vector<16xf32>,
      tpu.vector_store %arg10[%swap3A_240, %swap3A_241], %broadcast_in_dim3A_3 {strides = array<i32>} : memref<128x64xf32, #tpu.memory_space<vmem>>, vector<16xf32>,
    }
    %scan3A_59 = arith.constant 128 : i32
    %dma_start3A_60 = arith.constant 1 : i32
    %dma_start3A_61 = arith.constant 0 : i32
    %dma_start3A_62 = tpu.memref_slice %arg8[%dma_start3A_60, %dma_start3A_61] : memref<50x128xi32, #tpu.memory_space<vmem>> -> memref<1x128xi32, #tpu.memory_space<vmem>>
    %dma_start3A_63 = tpu.memref_squeeze %dma_start3A_62 : memref<1x128xi32, #tpu.memory_space<vmem>> -> memref<128xi32, #tpu.memory_space<vmem>>
    %dma_start3A_64 = arith.constant 0 : i32
    %dma_start3A_65 = arith.constant 0 : i32
    %dma_start3A_66 = tpu.memref_slice %arg3[%dma_start3A_64, %dma_start3A_65] : memref<100000x64xf32, #tpu.memory_space<hbm>> -> memref<100000x64xf32, #tpu.memory_space<hbm>>
    tpu.enqueue_indirect_dma source(%dma_start3A_66 : memref<100000x64xf32, #tpu.memory_space<hbm>>) target(%arg10 : memref<128x64xf32, #tpu.memory_space<vmem>>) offsets(%dma_start3A_63 : memref<128xi32, #tpu.memory_space<vmem>>) semaphore(%arg14 : memref<!tpu.dma_semaphore, #tpu.memory_space<semaphore_mem>>) {add = true}
    %dma_start3A_67 = arith.constant 1 : i32
    %dma_start3A_68 = arith.constant 0 : i32
    %dma_start3A_69 = tpu.memref_slice %arg8[%dma_start3A_67, %dma_start3A_68] : memref<50x128xi32, #tpu.memory_space<vmem>> -> memref<1x128xi32, #tpu.memory_space<vmem>>
    %dma_start3A_70 = tpu.memref_squeeze %dma_start3A_69 : memref<1x128xi32, #tpu.memory_space<vmem>> -> memref<128xi32, #tpu.memory_space<vmem>>
    %dma_start3A_71 = arith.constant 0 : i32
    %dma_start3A_72 = arith.constant 0 : i32
    %dma_start3A_73 = tpu.memref_slice %arg4[%dma_start3A_71, %dma_start3A_72] : memref<100000x64xf32, #tpu.memory_space<hbm>> -> memref<100000x64xf32, #tpu.memory_space<hbm>>
    tpu.enqueue_indirect_dma source(%dma_start3A_73 : memref<100000x64xf32, #tpu.memory_space<hbm>>) target(%arg10 : memref<128x64xf32, #tpu.memory_space<vmem>>) offsets(%dma_start3A_70 : memref<128xi32, #tpu.memory_space<vmem>>) semaphore(%arg14 : memref<!tpu.dma_semaphore, #tpu.memory_space<semaphore_mem>>) {add = true}
    %dma_start3A_74 = arith.constant 1 : i32
    %dma_start3A_75 = arith.constant 0 : i32
    %dma_start3A_76 = tpu.memref_slice %arg8[%dma_start3A_74, %dma_start3A_75] : memref<50x128xi32, #tpu.memory_space<vmem>> -> memref<1x128xi32, #tpu.memory_space<vmem>>
    %dma_start3A_77 = tpu.memref_squeeze %dma_start3A_76 : memref<1x128xi32, #tpu.memory_space<vmem>> -> memref<128xi32, #tpu.memory_space<vmem>>
    %dma_start3A_78 = arith.constant 0 : i32
    %dma_start3A_79 = arith.constant 0 : i32
    %dma_start3A_80 = tpu.memref_slice %arg5[%dma_start3A_78, %dma_start3A_79] : memref<100000x64xf32, #tpu.memory_space<hbm>> -> memref<100000x64xf32, #tpu.memory_space<hbm>>
    tpu.enqueue_indirect_dma source(%dma_start3A_80 : memref<100000x64xf32, #tpu.memory_space<hbm>>) target(%arg10 : memref<128x64xf32, #tpu.memory_space<vmem>>) offsets(%dma_start3A_77 : memref<128xi32, #tpu.memory_space<vmem>>) semaphore(%arg14 : memref<!tpu.dma_semaphore, #tpu.memory_space<semaphore_mem>>) {add = true}
    %dma_start3A_81 = arith.constant 1 : i32
    %dma_start3A_82 = arith.constant 0 : i32
    %dma_start3A_83 = tpu.memref_slice %arg8[%dma_start3A_81, %dma_start3A_82] : memref<50x128xi32, #tpu.memory_space<vmem>> -> memref<1x128xi32, #tpu.memory_space<vmem>>
    %dma_start3A_84 = tpu.memref_squeeze %dma_start3A_83 : memref<1x128xi32, #tpu.memory_space<vmem>> -> memref<128xi32, #tpu.memory_space<vmem>>
    %dma_start3A_85 = arith.constant 0 : i32
    %dma_start3A_86 = arith.constant 0 : i32
    %dma_start3A_87 = tpu.memref_slice %arg6[%dma_start3A_85, %dma_start3A_86] : memref<100000x64xf32, #tpu.memory_space<hbm>> -> memref<100000x64xf32, #tpu.memory_space<hbm>>
    tpu.enqueue_indirect_dma source(%dma_start3A_87 : memref<100000x64xf32, #tpu.memory_space<hbm>>) target(%arg10 : memref<128x64xf32, #tpu.memory_space<vmem>>) offsets(%dma_start3A_84 : memref<128xi32, #tpu.memory_space<vmem>>) semaphore(%arg14 : memref<!tpu.dma_semaphore, #tpu.memory_space<semaphore_mem>>) {add = true}
    %scan3A_88 = arith.constant 0 : i32
    %scan3A_89 = arith.constant 0 : i32
    %scan3A_90 = arith.constant 25 : i32
    %scan3A_91 = arith.addi %scan3A_89, %scan3A_90 : i32
    %scan3A_92 = arith.constant 1 : i32
    scf.for %scan3A_133 = %scan3A_89 to %scan3A_91 step %scan3A_92  : i32 {
      %mul3A_134 = arith.constant 2 : i32
      %mul3A_135 = arith.muli %scan3A_133, %mul3A_134 : i32
      %add3A_136 = arith.constant 0 : i32
      %add3A_137 = arith.addi %mul3A_135, %add3A_136 : i32
      %dma_wait3A_138 = arith.constant 0 : i32
      %dma_wait3A_139 = arith.constant 0 : i32
      %dma_wait3A_140 = tpu.memref_slice %arg8[%dma_wait3A_138, %dma_wait3A_139] : memref<50x128xi32, #tpu.memory_space<vmem>> -> memref<1x128xi32, #tpu.memory_space<vmem>>
      %dma_wait3A_141 = tpu.memref_squeeze %dma_wait3A_140 : memref<1x128xi32, #tpu.memory_space<vmem>> -> memref<128xi32, #tpu.memory_space<vmem>>
      %dma_wait3A_142 = arith.constant 0 : i32
      %dma_wait3A_143 = arith.constant 0 : i32
      %dma_wait3A_144 = tpu.memref_slice %arg3[%dma_wait3A_142, %dma_wait3A_143] : memref<100000x64xf32, #tpu.memory_space<hbm>> -> memref<100000x64xf32, #tpu.memory_space<hbm>>
      tpu.wait_indirect_dma semaphore(%arg13 : memref<!tpu.dma_semaphore, #tpu.memory_space<semaphore_mem>>) src(%dma_wait3A_144 : memref<100000x64xf32, #tpu.memory_space<hbm>>) dst(%arg9 : memref<128x64xf32, #tpu.memory_space<vmem>>)
      %dma_wait3A_145 = arith.constant 0 : i32
      %dma_wait3A_146 = arith.constant 0 : i32
      %dma_wait3A_147 = tpu.memref_slice %arg8[%dma_wait3A_145, %dma_wait3A_146] : memref<50x128xi32, #tpu.memory_space<vmem>> -> memref<1x128xi32, #tpu.memory_space<vmem>>
      %dma_wait3A_148 = tpu.memref_squeeze %dma_wait3A_147 : memref<1x128xi32, #tpu.memory_space<vmem>> -> memref<128xi32, #tpu.memory_space<vmem>>
      %dma_wait3A_149 = arith.constant 0 : i32
      %dma_wait3A_150 = arith.constant 0 : i32
      %dma_wait3A_151 = tpu.memref_slice %arg3[%dma_wait3A_149, %dma_wait3A_150] : memref<100000x64xf32, #tpu.memory_space<hbm>> -> memref<100000x64xf32, #tpu.memory_space<hbm>>
      tpu.wait_indirect_dma semaphore(%arg13 : memref<!tpu.dma_semaphore, #tpu.memory_space<semaphore_mem>>) src(%dma_wait3A_151 : memref<100000x64xf32, #tpu.memory_space<hbm>>) dst(%arg9 : memref<128x64xf32, #tpu.memory_space<vmem>>)
      %dma_wait3A_152 = arith.constant 0 : i32
      %dma_wait3A_153 = arith.constant 0 : i32
      %dma_wait3A_154 = tpu.memref_slice %arg8[%dma_wait3A_152, %dma_wait3A_153] : memref<50x128xi32, #tpu.memory_space<vmem>> -> memref<1x128xi32, #tpu.memory_space<vmem>>
      %dma_wait3A_155 = tpu.memref_squeeze %dma_wait3A_154 : memref<1x128xi32, #tpu.memory_space<vmem>> -> memref<128xi32, #tpu.memory_space<vmem>>
      %dma_wait3A_156 = arith.constant 0 : i32
      %dma_wait3A_157 = arith.constant 0 : i32
      %dma_wait3A_158 = tpu.memref_slice %arg3[%dma_wait3A_156, %dma_wait3A_157] : memref<100000x64xf32, #tpu.memory_space<hbm>> -> memref<100000x64xf32, #tpu.memory_space<hbm>>
      tpu.wait_indirect_dma semaphore(%arg13 : memref<!tpu.dma_semaphore, #tpu.memory_space<semaphore_mem>>) src(%dma_wait3A_158 : memref<100000x64xf32, #tpu.memory_space<hbm>>) dst(%arg9 : memref<128x64xf32, #tpu.memory_space<vmem>>)
      %dma_wait3A_159 = arith.constant 0 : i32
      %dma_wait3A_160 = arith.constant 0 : i32
      %dma_wait3A_161 = tpu.memref_slice %arg8[%dma_wait3A_159, %dma_wait3A_160] : memref<50x128xi32, #tpu.memory_space<vmem>> -> memref<1x128xi32, #tpu.memory_space<vmem>>
      %dma_wait3A_162 = tpu.memref_squeeze %dma_wait3A_161 : memref<1x128xi32, #tpu.memory_space<vmem>> -> memref<128xi32, #tpu.memory_space<vmem>>
      %dma_wait3A_163 = arith.constant 0 : i32
      %dma_wait3A_164 = arith.constant 0 : i32
      %dma_wait3A_165 = tpu.memref_slice %arg3[%dma_wait3A_163, %dma_wait3A_164] : memref<100000x64xf32, #tpu.memory_space<hbm>> -> memref<100000x64xf32, #tpu.memory_space<hbm>>
      tpu.wait_indirect_dma semaphore(%arg13 : memref<!tpu.dma_semaphore, #tpu.memory_space<semaphore_mem>>) src(%dma_wait3A_165 : memref<100000x64xf32, #tpu.memory_space<hbm>>) dst(%arg9 : memref<128x64xf32, #tpu.memory_space<vmem>>)
      %ge3A = arith.constant 2 : i32
      %ge3A_166 = arith.cmpi sge, %add3A_137, %ge3A : i32
      %convert_element_type3A = arith.extui %ge3A_166 : i1 to i32
      %cond3A = arith.constant 0 : i32
      %cond3A_167 = arith.cmpi ne, %convert_element_type3A, %cond3A : i32
      scf.if %cond3A_167 {
        %dma_wait3A_266 = arith.constant 0 : i32
        %dma_wait3A_267 = arith.constant 0 : i32
        %dma_wait3A_268 = arith.constant 0 : i32
        %dma_wait3A_269 = arith.constant 0 : i32
        %dma_wait3A_270 = arith.constant 0 : i32
        %dma_wait3A_271 = tpu.memref_slice %arg11[%dma_wait3A_268, %dma_wait3A_269, %dma_wait3A_270] : memref<8x8x129xf32, #tpu.memory_space<vmem>> -> memref<8x8x128xf32, #tpu.memory_space<vmem>>
        %dma_wait3A_272 = arith.constant 0 : i32
        %dma_wait3A_273 = arith.constant 0 : i32
        %dma_wait3A_274 = arith.constant 0 : i32
        %dma_wait3A_275 = tpu.memref_slice %arg7[%dma_wait3A_266, %dma_wait3A_272, %dma_wait3A_267, %dma_wait3A_273, %dma_wait3A_274] : memref<50x8x32x8x128xf32, #tpu.memory_space<hbm>> -> memref<1x8x1x8x128xf32, #tpu.memory_space<hbm>>
        %dma_wait3A_276 = tpu.memref_squeeze %dma_wait3A_275 : memref<1x8x1x8x128xf32, #tpu.memory_space<hbm>> -> memref<8x8x128xf32, #tpu.memory_space<hbm>>
        %dma_wait3A_277 = arith.constant 0 : i32
        %dma_wait3A_278 = arith.constant 0 : i32
        %dma_wait3A_279 = arith.constant 0 : i32
        %dma_wait3A_280 = tpu.memref_slice %arg7[%dma_wait3A_266, %dma_wait3A_277, %dma_wait3A_267, %dma_wait3A_278, %dma_wait3A_279] : memref<50x8x32x8x128xf32, #tpu.memory_space<hbm>> -> memref<1x8x1x8x128xf32, #tpu.memory_space<hbm>>
        %dma_wait3A_281 = tpu.memref_squeeze %dma_wait3A_280 : memref<1x8x1x8x128xf32, #tpu.memory_space<hbm>> -> memref<8x8x128xf32, #tpu.memory_space<hbm>>
        %dma_wait3A_282 = arith.constant 0 : i32
        %dma_wait3A_283 = arith.constant 0 : i32
        %dma_wait3A_284 = arith.constant 0 : i32
        %dma_wait3A_285 = tpu.memref_slice %arg11[%dma_wait3A_282, %dma_wait3A_283, %dma_wait3A_284] : memref<8x8x129xf32, #tpu.memory_space<vmem>> -> memref<8x8x128xf32, #tpu.memory_space<vmem>>
        tpu.wait_dma2 semaphore(%arg15 : memref<!tpu.dma_semaphore, #tpu.memory_space<semaphore_mem>>) src(%dma_wait3A_285 : memref<8x8x128xf32, #tpu.memory_space<vmem>>) dst(%dma_wait3A_281 : memref<8x8x128xf32, #tpu.memory_space<hbm>>)
      } else {
      }
      %scan3A_168 = arith.constant 0 : i32
      %scan3A_169 = arith.constant 0 : i32
      %scan3A_170 = arith.constant 128 : i32
      %scan3A_171 = arith.addi %scan3A_169, %scan3A_170 : i32
      %scan3A_172 = arith.constant 4 : i32
      scf.for %scan3A_266 = %scan3A_169 to %scan3A_171 step %scan3A_172  : i32 {
        %add3A_267 = vector.broadcast %scan3A_266 : i32 to vector<16xi32>
        %add3A_268 = arith.addi %broadcast_in_dim3A_5, %add3A_267 : vector<16xi32>
        %get3A = arith.index_cast %scan3A_266 : i32 to index
        %get3A_269 = arith.constant 0 : index
        %get3A_270 = tpu.vector_load %arg9[%get3A, %get3A_269] {strides = array<i32>} : memref<128x64xf32, #tpu.memory_space<vmem>>, vector<16xf32>,
        %swap3A = arith.index_cast %scan3A_266 : i32 to index
        %swap3A_271 = arith.constant 0 : index
        %swap3A_272 = tpu.vector_load %arg9[%swap3A, %swap3A_271] {strides = array<i32>} : memref<128x64xf32, #tpu.memory_space<vmem>>, vector<16xf32>,
        tpu.vector_store %arg9[%swap3A, %swap3A_271], %broadcast_in_dim3A_3 {strides = array<i32>} : memref<128x64xf32, #tpu.memory_space<vmem>>, vector<16xf32>,
        %mul3A_273 = arith.constant 2.500000e-01 : f32
        %mul3A_274 = vector.broadcast %mul3A_273 : f32 to vector<16xf32>
        %mul3A_275 = arith.mulf %get3A_270, %mul3A_274 : vector<16xf32>
        tpu.vector_store_idx %arg11[%add3A_12, %and3A_7, %add3A_268], %mul3A_275 : memref<8x8x129xf32, #tpu.memory_space<vmem>>[vector<16xi32>, vector<16xi32>, vector<16xi32>], vector<16xf32>,
        %get3A_276 = arith.index_cast %scan3A_266 : i32 to index
        %get3A_277 = arith.constant 16 : index
        %get3A_278 = tpu.vector_load %arg9[%get3A_276, %get3A_277] {strides = array<i32>} : memref<128x64xf32, #tpu.memory_space<vmem>>, vector<16xf32>,
        %swap3A_279 = arith.index_cast %scan3A_266 : i32 to index
        %swap3A_280 = arith.constant 16 : index
        %swap3A_281 = tpu.vector_load %arg9[%swap3A_279, %swap3A_280] {strides = array<i32>} : memref<128x64xf32, #tpu.memory_space<vmem>>, vector<16xf32>,
        tpu.vector_store %arg9[%swap3A_279, %swap3A_280], %broadcast_in_dim3A_3 {strides = array<i32>} : memref<128x64xf32, #tpu.memory_space<vmem>>, vector<16xf32>,
        %mul3A_282 = arith.constant 2.500000e-01 : f32
        %mul3A_283 = vector.broadcast %mul3A_282 : f32 to vector<16xf32>
        %mul3A_284 = arith.mulf %get3A_278, %mul3A_283 : vector<16xf32>
        tpu.vector_store_idx %arg11[%add3A_15, %and3A_7, %add3A_268], %mul3A_284 : memref<8x8x129xf32, #tpu.memory_space<vmem>>[vector<16xi32>, vector<16xi32>, vector<16xi32>], vector<16xf32>,
        %get3A_285 = arith.index_cast %scan3A_266 : i32 to index
        %get3A_286 = arith.constant 32 : index
        %get3A_287 = tpu.vector_load %arg9[%get3A_285, %get3A_286] {strides = array<i32>} : memref<128x64xf32, #tpu.memory_space<vmem>>, vector<16xf32>,
        %swap3A_288 = arith.index_cast %scan3A_266 : i32 to index
        %swap3A_289 = arith.constant 32 : index
        %swap3A_290 = tpu.vector_load %arg9[%swap3A_288, %swap3A_289] {strides = array<i32>} : memref<128x64xf32, #tpu.memory_space<vmem>>, vector<16xf32>,
        tpu.vector_store %arg9[%swap3A_288, %swap3A_289], %broadcast_in_dim3A_3 {strides = array<i32>} : memref<128x64xf32, #tpu.memory_space<vmem>>, vector<16xf32>,
        %mul3A_291 = arith.constant 2.500000e-01 : f32
        %mul3A_292 = vector.broadcast %mul3A_291 : f32 to vector<16xf32>
        %mul3A_293 = arith.mulf %get3A_287, %mul3A_292 : vector<16xf32>
        tpu.vector_store_idx %arg11[%add3A_18, %and3A_7, %add3A_268], %mul3A_293 : memref<8x8x129xf32, #tpu.memory_space<vmem>>[vector<16xi32>, vector<16xi32>, vector<16xi32>], vector<16xf32>,
        %get3A_294 = arith.index_cast %scan3A_266 : i32 to index
        %get3A_295 = arith.constant 48 : index
        %get3A_296 = tpu.vector_load %arg9[%get3A_294, %get3A_295] {strides = array<i32>} : memref<128x64xf32, #tpu.memory_space<vmem>>, vector<16xf32>,
        %swap3A_297 = arith.index_cast %scan3A_266 : i32 to index
        %swap3A_298 = arith.constant 48 : index
        %swap3A_299 = tpu.vector_load %arg9[%swap3A_297, %swap3A_298] {strides = array<i32>} : memref<128x64xf32, #tpu.memory_space<vmem>>, vector<16xf32>,
        tpu.vector_store %arg9[%swap3A_297, %swap3A_298], %broadcast_in_dim3A_3 {strides = array<i32>} : memref<128x64xf32, #tpu.memory_space<vmem>>, vector<16xf32>,
        %mul3A_300 = arith.constant 2.500000e-01 : f32
        %mul3A_301 = vector.broadcast %mul3A_300 : f32 to vector<16xf32>
        %mul3A_302 = arith.mulf %get3A_296, %mul3A_301 : vector<16xf32>
        tpu.vector_store_idx %arg11[%add3A_21, %and3A_7, %add3A_268], %mul3A_302 : memref<8x8x129xf32, #tpu.memory_space<vmem>>[vector<16xi32>, vector<16xi32>, vector<16xi32>], vector<16xf32>,
        %scan3A_303 = arith.constant 1 : i32
        %scan3A_304 = arith.addi %scan3A_266, %scan3A_303 : i32
        %add3A_305 = vector.broadcast %scan3A_304 : i32 to vector<16xi32>
        %add3A_306 = arith.addi %broadcast_in_dim3A_5, %add3A_305 : vector<16xi32>
        %get3A_307 = arith.index_cast %scan3A_304 : i32 to index
        %get3A_308 = arith.constant 0 : index
        %get3A_309 = tpu.vector_load %arg9[%get3A_307, %get3A_308] {strides = array<i32>} : memref<128x64xf32, #tpu.memory_space<vmem>>, vector<16xf32>,
        %swap3A_310 = arith.index_cast %scan3A_304 : i32 to index
        %swap3A_311 = arith.constant 0 : index
        %swap3A_312 = tpu.vector_load %arg9[%swap3A_310, %swap3A_311] {strides = array<i32>} : memref<128x64xf32, #tpu.memory_space<vmem>>, vector<16xf32>,
        tpu.vector_store %arg9[%swap3A_310, %swap3A_311], %broadcast_in_dim3A_3 {strides = array<i32>} : memref<128x64xf32, #tpu.memory_space<vmem>>, vector<16xf32>,
        %mul3A_313 = arith.constant 2.500000e-01 : f32
        %mul3A_314 = vector.broadcast %mul3A_313 : f32 to vector<16xf32>
        %mul3A_315 = arith.mulf %get3A_309, %mul3A_314 : vector<16xf32>
        tpu.vector_store_idx %arg11[%add3A_12, %and3A_7, %add3A_306], %mul3A_315 : memref<8x8x129xf32, #tpu.memory_space<vmem>>[vector<16xi32>, vector<16xi32>, vector<16xi32>], vector<16xf32>,
        %get3A_316 = arith.index_cast %scan3A_304 : i32 to index
        %get3A_317 = arith.constant 16 : index
        %get3A_318 = tpu.vector_load %arg9[%get3A_316, %get3A_317] {strides = array<i32>} : memref<128x64xf32, #tpu.memory_space<vmem>>, vector<16xf32>,
        %swap3A_319 = arith.index_cast %scan3A_304 : i32 to index
        %swap3A_320 = arith.constant 16 : index
        %swap3A_321 = tpu.vector_load %arg9[%swap3A_319, %swap3A_320] {strides = array<i32>} : memref<128x64xf32, #tpu.memory_space<vmem>>, vector<16xf32>,
        tpu.vector_store %arg9[%swap3A_319, %swap3A_320], %broadcast_in_dim3A_3 {strides = array<i32>} : memref<128x64xf32, #tpu.memory_space<vmem>>, vector<16xf32>,
        %mul3A_322 = arith.constant 2.500000e-01 : f32
        %mul3A_323 = vector.broadcast %mul3A_322 : f32 to vector<16xf32>
        %mul3A_324 = arith.mulf %get3A_318, %mul3A_323 : vector<16xf32>
        tpu.vector_store_idx %arg11[%add3A_15, %and3A_7, %add3A_306], %mul3A_324 : memref<8x8x129xf32, #tpu.memory_space<vmem>>[vector<16xi32>, vector<16xi32>, vector<16xi32>], vector<16xf32>,
        %get3A_325 = arith.index_cast %scan3A_304 : i32 to index
        %get3A_326 = arith.constant 32 : index
        %get3A_327 = tpu.vector_load %arg9[%get3A_325, %get3A_326] {strides = array<i32>} : memref<128x64xf32, #tpu.memory_space<vmem>>, vector<16xf32>,
        %swap3A_328 = arith.index_cast %scan3A_304 : i32 to index
        %swap3A_329 = arith.constant 32 : index
        %swap3A_330 = tpu.vector_load %arg9[%swap3A_328, %swap3A_329] {strides = array<i32>} : memref<128x64xf32, #tpu.memory_space<vmem>>, vector<16xf32>,
        tpu.vector_store %arg9[%swap3A_328, %swap3A_329], %broadcast_in_dim3A_3 {strides = array<i32>} : memref<128x64xf32, #tpu.memory_space<vmem>>, vector<16xf32>,
        %mul3A_331 = arith.constant 2.500000e-01 : f32
        %mul3A_332 = vector.broadcast %mul3A_331 : f32 to vector<16xf32>
        %mul3A_333 = arith.mulf %get3A_327, %mul3A_332 : vector<16xf32>
        tpu.vector_store_idx %arg11[%add3A_18, %and3A_7, %add3A_306], %mul3A_333 : memref<8x8x129xf32, #tpu.memory_space<vmem>>[vector<16xi32>, vector<16xi32>, vector<16xi32>], vector<16xf32>,
        %get3A_334 = arith.index_cast %scan3A_304 : i32 to index
        %get3A_335 = arith.constant 48 : index
        %get3A_336 = tpu.vector_load %arg9[%get3A_334, %get3A_335] {strides = array<i32>} : memref<128x64xf32, #tpu.memory_space<vmem>>, vector<16xf32>,
        %swap3A_337 = arith.index_cast %scan3A_304 : i32 to index
        %swap3A_338 = arith.constant 48 : index
        %swap3A_339 = tpu.vector_load %arg9[%swap3A_337, %swap3A_338] {strides = array<i32>} : memref<128x64xf32, #tpu.memory_space<vmem>>, vector<16xf32>,
        tpu.vector_store %arg9[%swap3A_337, %swap3A_338], %broadcast_in_dim3A_3 {strides = array<i32>} : memref<128x64xf32, #tpu.memory_space<vmem>>, vector<16xf32>,
        %mul3A_340 = arith.constant 2.500000e-01 : f32
        %mul3A_341 = vector.broadcast %mul3A_340 : f32 to vector<16xf32>
        %mul3A_342 = arith.mulf %get3A_336, %mul3A_341 : vector<16xf32>
        tpu.vector_store_idx %arg11[%add3A_21, %and3A_7, %add3A_306], %mul3A_342 : memref<8x8x129xf32, #tpu.memory_space<vmem>>[vector<16xi32>, vector<16xi32>, vector<16xi32>], vector<16xf32>,
        %scan3A_343 = arith.constant 2 : i32
        %scan3A_344 = arith.addi %scan3A_266, %scan3A_343 : i32
        %add3A_345 = vector.broadcast %scan3A_344 : i32 to vector<16xi32>
        %add3A_346 = arith.addi %broadcast_in_dim3A_5, %add3A_345 : vector<16xi32>
        %get3A_347 = arith.index_cast %scan3A_344 : i32 to index
        %get3A_348 = arith.constant 0 : index
        %get3A_349 = tpu.vector_load %arg9[%get3A_347, %get3A_348] {strides = array<i32>} : memref<128x64xf32, #tpu.memory_space<vmem>>, vector<16xf32>,
        %swap3A_350 = arith.index_cast %scan3A_344 : i32 to index
        %swap3A_351 = arith.constant 0 : index
        %swap3A_352 = tpu.vector_load %arg9[%swap3A_350, %swap3A_351] {strides = array<i32>} : memref<128x64xf32, #tpu.memory_space<vmem>>, vector<16xf32>,
        tpu.vector_store %arg9[%swap3A_350, %swap3A_351], %broadcast_in_dim3A_3 {strides = array<i32>} : memref<128x64xf32, #tpu.memory_space<vmem>>, vector<16xf32>,
        %mul3A_353 = arith.constant 2.500000e-01 : f32
        %mul3A_354 = vector.broadcast %mul3A_353 : f32 to vector<16xf32>
        %mul3A_355 = arith.mulf %get3A_349, %mul3A_354 : vector<16xf32>
        tpu.vector_store_idx %arg11[%add3A_12, %and3A_7, %add3A_346], %mul3A_355 : memref<8x8x129xf32, #tpu.memory_space<vmem>>[vector<16xi32>, vector<16xi32>, vector<16xi32>], vector<16xf32>,
        %get3A_356 = arith.index_cast %scan3A_344 : i32 to index
        %get3A_357 = arith.constant 16 : index
        %get3A_358 = tpu.vector_load %arg9[%get3A_356, %get3A_357] {strides = array<i32>} : memref<128x64xf32, #tpu.memory_space<vmem>>, vector<16xf32>,
        %swap3A_359 = arith.index_cast %scan3A_344 : i32 to index
        %swap3A_360 = arith.constant 16 : index
        %swap3A_361 = tpu.vector_load %arg9[%swap3A_359, %swap3A_360] {strides = array<i32>} : memref<128x64xf32, #tpu.memory_space<vmem>>, vector<16xf32>,
        tpu.vector_store %arg9[%swap3A_359, %swap3A_360], %broadcast_in_dim3A_3 {strides = array<i32>} : memref<128x64xf32, #tpu.memory_space<vmem>>, vector<16xf32>,
        %mul3A_362 = arith.constant 2.500000e-01 : f32
        %mul3A_363 = vector.broadcast %mul3A_362 : f32 to vector<16xf32>
        %mul3A_364 = arith.mulf %get3A_358, %mul3A_363 : vector<16xf32>
        tpu.vector_store_idx %arg11[%add3A_15, %and3A_7, %add3A_346], %mul3A_364 : memref<8x8x129xf32, #tpu.memory_space<vmem>>[vector<16xi32>, vector<16xi32>, vector<16xi32>], vector<16xf32>,
        %get3A_365 = arith.index_cast %scan3A_344 : i32 to index
        %get3A_366 = arith.constant 32 : index
        %get3A_367 = tpu.vector_load %arg9[%get3A_365, %get3A_366] {strides = array<i32>} : memref<128x64xf32, #tpu.memory_space<vmem>>, vector<16xf32>,
        %swap3A_368 = arith.index_cast %scan3A_344 : i32 to index
        %swap3A_369 = arith.constant 32 : index
        %swap3A_370 = tpu.vector_load %arg9[%swap3A_368, %swap3A_369] {strides = array<i32>} : memref<128x64xf32, #tpu.memory_space<vmem>>, vector<16xf32>,
        tpu.vector_store %arg9[%swap3A_368, %swap3A_369], %broadcast_in_dim3A_3 {strides = array<i32>} : memref<128x64xf32, #tpu.memory_space<vmem>>, vector<16xf32>,
        %mul3A_371 = arith.constant 2.500000e-01 : f32
        %mul3A_372 = vector.broadcast %mul3A_371 : f32 to vector<16xf32>
        %mul3A_373 = arith.mulf %get3A_367, %mul3A_372 : vector<16xf32>
        tpu.vector_store_idx %arg11[%add3A_18, %and3A_7, %add3A_346], %mul3A_373 : memref<8x8x129xf32, #tpu.memory_space<vmem>>[vector<16xi32>, vector<16xi32>, vector<16xi32>], vector<16xf32>,
        %get3A_374 = arith.index_cast %scan3A_344 : i32 to index
        %get3A_375 = arith.constant 48 : index
        %get3A_376 = tpu.vector_load %arg9[%get3A_374, %get3A_375] {strides = array<i32>} : memref<128x64xf32, #tpu.memory_space<vmem>>, vector<16xf32>,
        %swap3A_377 = arith.index_cast %scan3A_344 : i32 to index
        %swap3A_378 = arith.constant 48 : index
        %swap3A_379 = tpu.vector_load %arg9[%swap3A_377, %swap3A_378] {strides = array<i32>} : memref<128x64xf32, #tpu.memory_space<vmem>>, vector<16xf32>,
        tpu.vector_store %arg9[%swap3A_377, %swap3A_378], %broadcast_in_dim3A_3 {strides = array<i32>} : memref<128x64xf32, #tpu.memory_space<vmem>>, vector<16xf32>,
        %mul3A_380 = arith.constant 2.500000e-01 : f32
        %mul3A_381 = vector.broadcast %mul3A_380 : f32 to vector<16xf32>
        %mul3A_382 = arith.mulf %get3A_376, %mul3A_381 : vector<16xf32>
        tpu.vector_store_idx %arg11[%add3A_21, %and3A_7, %add3A_346], %mul3A_382 : memref<8x8x129xf32, #tpu.memory_space<vmem>>[vector<16xi32>, vector<16xi32>, vector<16xi32>], vector<16xf32>,
        %scan3A_383 = arith.constant 3 : i32
        %scan3A_384 = arith.addi %scan3A_266, %scan3A_383 : i32
        %add3A_385 = vector.broadcast %scan3A_384 : i32 to vector<16xi32>
        %add3A_386 = arith.addi %broadcast_in_dim3A_5, %add3A_385 : vector<16xi32>
        %get3A_387 = arith.index_cast %scan3A_384 : i32 to index
        %get3A_388 = arith.constant 0 : index
        %get3A_389 = tpu.vector_load %arg9[%get3A_387, %get3A_388] {strides = array<i32>} : memref<128x64xf32, #tpu.memory_space<vmem>>, vector<16xf32>,
        %swap3A_390 = arith.index_cast %scan3A_384 : i32 to index
        %swap3A_391 = arith.constant 0 : index
        %swap3A_392 = tpu.vector_load %arg9[%swap3A_390, %swap3A_391] {strides = array<i32>} : memref<128x64xf32, #tpu.memory_space<vmem>>, vector<16xf32>,
        tpu.vector_store %arg9[%swap3A_390, %swap3A_391], %broadcast_in_dim3A_3 {strides = array<i32>} : memref<128x64xf32, #tpu.memory_space<vmem>>, vector<16xf32>,
        %mul3A_393 = arith.constant 2.500000e-01 : f32
        %mul3A_394 = vector.broadcast %mul3A_393 : f32 to vector<16xf32>
        %mul3A_395 = arith.mulf %get3A_389, %mul3A_394 : vector<16xf32>
        tpu.vector_store_idx %arg11[%add3A_12, %and3A_7, %add3A_386], %mul3A_395 : memref<8x8x129xf32, #tpu.memory_space<vmem>>[vector<16xi32>, vector<16xi32>, vector<16xi32>], vector<16xf32>,
        %get3A_396 = arith.index_cast %scan3A_384 : i32 to index
        %get3A_397 = arith.constant 16 : index
        %get3A_398 = tpu.vector_load %arg9[%get3A_396, %get3A_397] {strides = array<i32>} : memref<128x64xf32, #tpu.memory_space<vmem>>, vector<16xf32>,
        %swap3A_399 = arith.index_cast %scan3A_384 : i32 to index
        %swap3A_400 = arith.constant 16 : index
        %swap3A_401 = tpu.vector_load %arg9[%swap3A_399, %swap3A_400] {strides = array<i32>} : memref<128x64xf32, #tpu.memory_space<vmem>>, vector<16xf32>,
        tpu.vector_store %arg9[%swap3A_399, %swap3A_400], %broadcast_in_dim3A_3 {strides = array<i32>} : memref<128x64xf32, #tpu.memory_space<vmem>>, vector<16xf32>,
        %mul3A_402 = arith.constant 2.500000e-01 : f32
        %mul3A_403 = vector.broadcast %mul3A_402 : f32 to vector<16xf32>
        %mul3A_404 = arith.mulf %get3A_398, %mul3A_403 : vector<16xf32>
        tpu.vector_store_idx %arg11[%add3A_15, %and3A_7, %add3A_386], %mul3A_404 : memref<8x8x129xf32, #tpu.memory_space<vmem>>[vector<16xi32>, vector<16xi32>, vector<16xi32>], vector<16xf32>,
        %get3A_405 = arith.index_cast %scan3A_384 : i32 to index
        %get3A_406 = arith.constant 32 : index
        %get3A_407 = tpu.vector_load %arg9[%get3A_405, %get3A_406] {strides = array<i32>} : memref<128x64xf32, #tpu.memory_space<vmem>>, vector<16xf32>,
        %swap3A_408 = arith.index_cast %scan3A_384 : i32 to index
        %swap3A_409 = arith.constant 32 : index
        %swap3A_410 = tpu.vector_load %arg9[%swap3A_408, %swap3A_409] {strides = array<i32>} : memref<128x64xf32, #tpu.memory_space<vmem>>, vector<16xf32>,
        tpu.vector_store %arg9[%swap3A_408, %swap3A_409], %broadcast_in_dim3A_3 {strides = array<i32>} : memref<128x64xf32, #tpu.memory_space<vmem>>, vector<16xf32>,
        %mul3A_411 = arith.constant 2.500000e-01 : f32
        %mul3A_412 = vector.broadcast %mul3A_411 : f32 to vector<16xf32>
        %mul3A_413 = arith.mulf %get3A_407, %mul3A_412 : vector<16xf32>
        tpu.vector_store_idx %arg11[%add3A_18, %and3A_7, %add3A_386], %mul3A_413 : memref<8x8x129xf32, #tpu.memory_space<vmem>>[vector<16xi32>, vector<16xi32>, vector<16xi32>], vector<16xf32>,
        %get3A_414 = arith.index_cast %scan3A_384 : i32 to index
        %get3A_415 = arith.constant 48 : index
        %get3A_416 = tpu.vector_load %arg9[%get3A_414, %get3A_415] {strides = array<i32>} : memref<128x64xf32, #tpu.memory_space<vmem>>, vector<16xf32>,
        %swap3A_417 = arith.index_cast %scan3A_384 : i32 to index
        %swap3A_418 = arith.constant 48 : index
        %swap3A_419 = tpu.vector_load %arg9[%swap3A_417, %swap3A_418] {strides = array<i32>} : memref<128x64xf32, #tpu.memory_space<vmem>>, vector<16xf32>,
        tpu.vector_store %arg9[%swap3A_417, %swap3A_418], %broadcast_in_dim3A_3 {strides = array<i32>} : memref<128x64xf32, #tpu.memory_space<vmem>>, vector<16xf32>,
        %mul3A_420 = arith.constant 2.500000e-01 : f32
        %mul3A_421 = vector.broadcast %mul3A_420 : f32 to vector<16xf32>
        %mul3A_422 = arith.mulf %get3A_416, %mul3A_421 : vector<16xf32>
        tpu.vector_store_idx %arg11[%add3A_21, %and3A_7, %add3A_386], %mul3A_422 : memref<8x8x129xf32, #tpu.memory_space<vmem>>[vector<16xi32>, vector<16xi32>, vector<16xi32>], vector<16xf32>,
      }
      %scan3A_173 = arith.constant 128 : i32
      %dma_start3A_174 = arith.constant 0 : i32
      %dma_start3A_175 = arith.constant 0 : i32
      %dma_start3A_176 = arith.constant 0 : i32
      %dma_start3A_177 = tpu.memref_slice %arg11[%dma_start3A_174, %dma_start3A_175, %dma_start3A_176] : memref<8x8x129xf32, #tpu.memory_space<vmem>> -> memref<8x8x128xf32, #tpu.memory_space<vmem>>
      %dma_start3A_178 = arith.constant 0 : i32
      %dma_start3A_179 = arith.constant 0 : i32
      %dma_start3A_180 = arith.constant 0 : i32
      %dma_start3A_181 = tpu.memref_slice %arg7[%add3A_137, %dma_start3A_178, %add3A, %dma_start3A_179, %dma_start3A_180] : memref<50x8x32x8x128xf32, #tpu.memory_space<hbm>> -> memref<1x8x1x8x128xf32, #tpu.memory_space<hbm>>
      %dma_start3A_182 = tpu.memref_squeeze %dma_start3A_181 : memref<1x8x1x8x128xf32, #tpu.memory_space<hbm>> -> memref<8x8x128xf32, #tpu.memory_space<hbm>>
      %dma_start3A_183 = arith.constant 0 : i32
      %dma_start3A_184 = arith.constant 0 : i32
      %dma_start3A_185 = arith.constant 0 : i32
      %dma_start3A_186 = tpu.memref_slice %arg7[%add3A_137, %dma_start3A_183, %add3A, %dma_start3A_184, %dma_start3A_185] : memref<50x8x32x8x128xf32, #tpu.memory_space<hbm>> -> memref<1x8x1x8x128xf32, #tpu.memory_space<hbm>>
      %dma_start3A_187 = tpu.memref_squeeze %dma_start3A_186 : memref<1x8x1x8x128xf32, #tpu.memory_space<hbm>> -> memref<8x8x128xf32, #tpu.memory_space<hbm>>
      %dma_start3A_188 = arith.constant 0 : i32
      %dma_start3A_189 = arith.constant 0 : i32
      %dma_start3A_190 = arith.constant 0 : i32
      %dma_start3A_191 = tpu.memref_slice %arg11[%dma_start3A_188, %dma_start3A_189, %dma_start3A_190] : memref<8x8x129xf32, #tpu.memory_space<vmem>> -> memref<8x8x128xf32, #tpu.memory_space<vmem>>
      tpu.enqueue_dma source(%dma_start3A_191 : memref<8x8x128xf32, #tpu.memory_space<vmem>>) target(%dma_start3A_187 : memref<8x8x128xf32, #tpu.memory_space<hbm>>) target_semaphore(%arg15 : memref<!tpu.dma_semaphore, #tpu.memory_space<semaphore_mem>>)
      %add3A_192 = arith.constant 2 : i32
      %add3A_193 = arith.addi %add3A_137, %add3A_192 : i32
      %lt3A = arith.constant 50 : i32
      %lt3A_194 = arith.cmpi slt, %add3A_193, %lt3A : i32
      %convert_element_type3A_195 = arith.extui %lt3A_194 : i1 to i32
      %cond3A_196 = arith.constant 0 : i32
      %cond3A_197 = arith.cmpi ne, %convert_element_type3A_195, %cond3A_196 : i32
      scf.if %cond3A_197 {
        %add3A_266 = arith.constant 2 : i32
        %add3A_267 = arith.addi %add3A_137, %add3A_266 : i32
        %dma_start3A_268 = arith.constant 0 : i32
        %dma_start3A_269 = tpu.memref_slice %arg8[%add3A_267, %dma_start3A_268] : memref<50x128xi32, #tpu.memory_space<vmem>> -> memref<1x128xi32, #tpu.memory_space<vmem>>
        %dma_start3A_270 = tpu.memref_squeeze %dma_start3A_269 : memref<1x128xi32, #tpu.memory_space<vmem>> -> memref<128xi32, #tpu.memory_space<vmem>>
        %dma_start3A_271 = arith.constant 0 : i32
        %dma_start3A_272 = arith.constant 0 : i32
        %dma_start3A_273 = tpu.memref_slice %arg3[%dma_start3A_271, %dma_start3A_272] : memref<100000x64xf32, #tpu.memory_space<hbm>> -> memref<100000x64xf32, #tpu.memory_space<hbm>>
        tpu.enqueue_indirect_dma source(%dma_start3A_273 : memref<100000x64xf32, #tpu.memory_space<hbm>>) target(%arg9 : memref<128x64xf32, #tpu.memory_space<vmem>>) offsets(%dma_start3A_270 : memref<128xi32, #tpu.memory_space<vmem>>) semaphore(%arg13 : memref<!tpu.dma_semaphore, #tpu.memory_space<semaphore_mem>>) {add = true}
        %dma_start3A_274 = arith.constant 0 : i32
        %dma_start3A_275 = tpu.memref_slice %arg8[%add3A_267, %dma_start3A_274] : memref<50x128xi32, #tpu.memory_space<vmem>> -> memref<1x128xi32, #tpu.memory_space<vmem>>
        %dma_start3A_276 = tpu.memref_squeeze %dma_start3A_275 : memref<1x128xi32, #tpu.memory_space<vmem>> -> memref<128xi32, #tpu.memory_space<vmem>>
        %dma_start3A_277 = arith.constant 0 : i32
        %dma_start3A_278 = arith.constant 0 : i32
        %dma_start3A_279 = tpu.memref_slice %arg4[%dma_start3A_277, %dma_start3A_278] : memref<100000x64xf32, #tpu.memory_space<hbm>> -> memref<100000x64xf32, #tpu.memory_space<hbm>>
        tpu.enqueue_indirect_dma source(%dma_start3A_279 : memref<100000x64xf32, #tpu.memory_space<hbm>>) target(%arg9 : memref<128x64xf32, #tpu.memory_space<vmem>>) offsets(%dma_start3A_276 : memref<128xi32, #tpu.memory_space<vmem>>) semaphore(%arg13 : memref<!tpu.dma_semaphore, #tpu.memory_space<semaphore_mem>>) {add = true}
        %dma_start3A_280 = arith.constant 0 : i32
        %dma_start3A_281 = tpu.memref_slice %arg8[%add3A_267, %dma_start3A_280] : memref<50x128xi32, #tpu.memory_space<vmem>> -> memref<1x128xi32, #tpu.memory_space<vmem>>
        %dma_start3A_282 = tpu.memref_squeeze %dma_start3A_281 : memref<1x128xi32, #tpu.memory_space<vmem>> -> memref<128xi32, #tpu.memory_space<vmem>>
        %dma_start3A_283 = arith.constant 0 : i32
        %dma_start3A_284 = arith.constant 0 : i32
        %dma_start3A_285 = tpu.memref_slice %arg5[%dma_start3A_283, %dma_start3A_284] : memref<100000x64xf32, #tpu.memory_space<hbm>> -> memref<100000x64xf32, #tpu.memory_space<hbm>>
        tpu.enqueue_indirect_dma source(%dma_start3A_285 : memref<100000x64xf32, #tpu.memory_space<hbm>>) target(%arg9 : memref<128x64xf32, #tpu.memory_space<vmem>>) offsets(%dma_start3A_282 : memref<128xi32, #tpu.memory_space<vmem>>) semaphore(%arg13 : memref<!tpu.dma_semaphore, #tpu.memory_space<semaphore_mem>>) {add = true}
        %dma_start3A_286 = arith.constant 0 : i32
        %dma_start3A_287 = tpu.memref_slice %arg8[%add3A_267, %dma_start3A_286] : memref<50x128xi32, #tpu.memory_space<vmem>> -> memref<1x128xi32, #tpu.memory_space<vmem>>
        %dma_start3A_288 = tpu.memref_squeeze %dma_start3A_287 : memref<1x128xi32, #tpu.memory_space<vmem>> -> memref<128xi32, #tpu.memory_space<vmem>>
        %dma_start3A_289 = arith.constant 0 : i32
        %dma_start3A_290 = arith.constant 0 : i32
        %dma_start3A_291 = tpu.memref_slice %arg6[%dma_start3A_289, %dma_start3A_290] : memref<100000x64xf32, #tpu.memory_space<hbm>> -> memref<100000x64xf32, #tpu.memory_space<hbm>>
        tpu.enqueue_indirect_dma source(%dma_start3A_291 : memref<100000x64xf32, #tpu.memory_space<hbm>>) target(%arg9 : memref<128x64xf32, #tpu.memory_space<vmem>>) offsets(%dma_start3A_288 : memref<128xi32, #tpu.memory_space<vmem>>) semaphore(%arg13 : memref<!tpu.dma_semaphore, #tpu.memory_space<semaphore_mem>>) {add = true}
      } else {
      }
      %mul3A_198 = arith.constant 2 : i32
      %mul3A_199 = arith.muli %scan3A_133, %mul3A_198 : i32
      %add3A_200 = arith.constant 1 : i32
      %add3A_201 = arith.addi %mul3A_199, %add3A_200 : i32
      %dma_wait3A_202 = arith.constant 0 : i32
      %dma_wait3A_203 = arith.constant 0 : i32
      %dma_wait3A_204 = tpu.memref_slice %arg8[%dma_wait3A_202, %dma_wait3A_203] : memref<50x128xi32, #tpu.memory_space<vmem>> -> memref<1x128xi32, #tpu.memory_space<vmem>>
      %dma_wait3A_205 = tpu.memref_squeeze %dma_wait3A_204 : memref<1x128xi32, #tpu.memory_space<vmem>> -> memref<128xi32, #tpu.memory_space<vmem>>
      %dma_wait3A_206 = arith.constant 0 : i32
      %dma_wait3A_207 = arith.constant 0 : i32
      %dma_wait3A_208 = tpu.memref_slice %arg3[%dma_wait3A_206, %dma_wait3A_207] : memref<100000x64xf32, #tpu.memory_space<hbm>> -> memref<100000x64xf32, #tpu.memory_space<hbm>>
      tpu.wait_indirect_dma semaphore(%arg14 : memref<!tpu.dma_semaphore, #tpu.memory_space<semaphore_mem>>) src(%dma_wait3A_208 : memref<100000x64xf32, #tpu.memory_space<hbm>>) dst(%arg10 : memref<128x64xf32, #tpu.memory_space<vmem>>)
      %dma_wait3A_209 = arith.constant 0 : i32
      %dma_wait3A_210 = arith.constant 0 : i32
      %dma_wait3A_211 = tpu.memref_slice %arg8[%dma_wait3A_209, %dma_wait3A_210] : memref<50x128xi32, #tpu.memory_space<vmem>> -> memref<1x128xi32, #tpu.memory_space<vmem>>
      %dma_wait3A_212 = tpu.memref_squeeze %dma_wait3A_211 : memref<1x128xi32, #tpu.memory_space<vmem>> -> memref<128xi32, #tpu.memory_space<vmem>>
      %dma_wait3A_213 = arith.constant 0 : i32
      %dma_wait3A_214 = arith.constant 0 : i32
      %dma_wait3A_215 = tpu.memref_slice %arg3[%dma_wait3A_213, %dma_wait3A_214] : memref<100000x64xf32, #tpu.memory_space<hbm>> -> memref<100000x64xf32, #tpu.memory_space<hbm>>
      tpu.wait_indirect_dma semaphore(%arg14 : memref<!tpu.dma_semaphore, #tpu.memory_space<semaphore_mem>>) src(%dma_wait3A_215 : memref<100000x64xf32, #tpu.memory_space<hbm>>) dst(%arg10 : memref<128x64xf32, #tpu.memory_space<vmem>>)
      %dma_wait3A_216 = arith.constant 0 : i32
      %dma_wait3A_217 = arith.constant 0 : i32
      %dma_wait3A_218 = tpu.memref_slice %arg8[%dma_wait3A_216, %dma_wait3A_217] : memref<50x128xi32, #tpu.memory_space<vmem>> -> memref<1x128xi32, #tpu.memory_space<vmem>>
      %dma_wait3A_219 = tpu.memref_squeeze %dma_wait3A_218 : memref<1x128xi32, #tpu.memory_space<vmem>> -> memref<128xi32, #tpu.memory_space<vmem>>
      %dma_wait3A_220 = arith.constant 0 : i32
      %dma_wait3A_221 = arith.constant 0 : i32
      %dma_wait3A_222 = tpu.memref_slice %arg3[%dma_wait3A_220, %dma_wait3A_221] : memref<100000x64xf32, #tpu.memory_space<hbm>> -> memref<100000x64xf32, #tpu.memory_space<hbm>>
      tpu.wait_indirect_dma semaphore(%arg14 : memref<!tpu.dma_semaphore, #tpu.memory_space<semaphore_mem>>) src(%dma_wait3A_222 : memref<100000x64xf32, #tpu.memory_space<hbm>>) dst(%arg10 : memref<128x64xf32, #tpu.memory_space<vmem>>)
      %dma_wait3A_223 = arith.constant 0 : i32
      %dma_wait3A_224 = arith.constant 0 : i32
      %dma_wait3A_225 = tpu.memref_slice %arg8[%dma_wait3A_223, %dma_wait3A_224] : memref<50x128xi32, #tpu.memory_space<vmem>> -> memref<1x128xi32, #tpu.memory_space<vmem>>
      %dma_wait3A_226 = tpu.memref_squeeze %dma_wait3A_225 : memref<1x128xi32, #tpu.memory_space<vmem>> -> memref<128xi32, #tpu.memory_space<vmem>>
      %dma_wait3A_227 = arith.constant 0 : i32
      %dma_wait3A_228 = arith.constant 0 : i32
      %dma_wait3A_229 = tpu.memref_slice %arg3[%dma_wait3A_227, %dma_wait3A_228] : memref<100000x64xf32, #tpu.memory_space<hbm>> -> memref<100000x64xf32, #tpu.memory_space<hbm>>
      tpu.wait_indirect_dma semaphore(%arg14 : memref<!tpu.dma_semaphore, #tpu.memory_space<semaphore_mem>>) src(%dma_wait3A_229 : memref<100000x64xf32, #tpu.memory_space<hbm>>) dst(%arg10 : memref<128x64xf32, #tpu.memory_space<vmem>>)
      %ge3A_230 = arith.constant 2 : i32
      %ge3A_231 = arith.cmpi sge, %add3A_201, %ge3A_230 : i32
      %convert_element_type3A_232 = arith.extui %ge3A_231 : i1 to i32
      %cond3A_233 = arith.constant 0 : i32
      %cond3A_234 = arith.cmpi ne, %convert_element_type3A_232, %cond3A_233 : i32
      scf.if %cond3A_234 {
        %dma_wait3A_266 = arith.constant 0 : i32
        %dma_wait3A_267 = arith.constant 0 : i32
        %dma_wait3A_268 = arith.constant 0 : i32
        %dma_wait3A_269 = arith.constant 0 : i32
        %dma_wait3A_270 = arith.constant 0 : i32
        %dma_wait3A_271 = tpu.memref_slice %arg12[%dma_wait3A_268, %dma_wait3A_269, %dma_wait3A_270] : memref<8x8x129xf32, #tpu.memory_space<vmem>> -> memref<8x8x128xf32, #tpu.memory_space<vmem>>
        %dma_wait3A_272 = arith.constant 0 : i32
        %dma_wait3A_273 = arith.constant 0 : i32
        %dma_wait3A_274 = arith.constant 0 : i32
        %dma_wait3A_275 = tpu.memref_slice %arg7[%dma_wait3A_266, %dma_wait3A_272, %dma_wait3A_267, %dma_wait3A_273, %dma_wait3A_274] : memref<50x8x32x8x128xf32, #tpu.memory_space<hbm>> -> memref<1x8x1x8x128xf32, #tpu.memory_space<hbm>>
        %dma_wait3A_276 = tpu.memref_squeeze %dma_wait3A_275 : memref<1x8x1x8x128xf32, #tpu.memory_space<hbm>> -> memref<8x8x128xf32, #tpu.memory_space<hbm>>
        %dma_wait3A_277 = arith.constant 0 : i32
        %dma_wait3A_278 = arith.constant 0 : i32
        %dma_wait3A_279 = arith.constant 0 : i32
        %dma_wait3A_280 = tpu.memref_slice %arg7[%dma_wait3A_266, %dma_wait3A_277, %dma_wait3A_267, %dma_wait3A_278, %dma_wait3A_279] : memref<50x8x32x8x128xf32, #tpu.memory_space<hbm>> -> memref<1x8x1x8x128xf32, #tpu.memory_space<hbm>>
        %dma_wait3A_281 = tpu.memref_squeeze %dma_wait3A_280 : memref<1x8x1x8x128xf32, #tpu.memory_space<hbm>> -> memref<8x8x128xf32, #tpu.memory_space<hbm>>
        %dma_wait3A_282 = arith.constant 0 : i32
        %dma_wait3A_283 = arith.constant 0 : i32
        %dma_wait3A_284 = arith.constant 0 : i32
        %dma_wait3A_285 = tpu.memref_slice %arg12[%dma_wait3A_282, %dma_wait3A_283, %dma_wait3A_284] : memref<8x8x129xf32, #tpu.memory_space<vmem>> -> memref<8x8x128xf32, #tpu.memory_space<vmem>>
        tpu.wait_dma2 semaphore(%arg16 : memref<!tpu.dma_semaphore, #tpu.memory_space<semaphore_mem>>) src(%dma_wait3A_285 : memref<8x8x128xf32, #tpu.memory_space<vmem>>) dst(%dma_wait3A_281 : memref<8x8x128xf32, #tpu.memory_space<hbm>>)
      } else {
      }
      %scan3A_235 = arith.constant 0 : i32
      %scan3A_236 = arith.constant 0 : i32
      %scan3A_237 = arith.constant 128 : i32
      %scan3A_238 = arith.addi %scan3A_236, %scan3A_237 : i32
      %scan3A_239 = arith.constant 4 : i32
      scf.for %scan3A_266 = %scan3A_236 to %scan3A_238 step %scan3A_239  : i32 {
        %add3A_267 = vector.broadcast %scan3A_266 : i32 to vector<16xi32>
        %add3A_268 = arith.addi %broadcast_in_dim3A_5, %add3A_267 : vector<16xi32>
        %get3A = arith.index_cast %scan3A_266 : i32 to index
        %get3A_269 = arith.constant 0 : index
        %get3A_270 = tpu.vector_load %arg10[%get3A, %get3A_269] {strides = array<i32>} : memref<128x64xf32, #tpu.memory_space<vmem>>, vector<16xf32>,
        %swap3A = arith.index_cast %scan3A_266 : i32 to index
        %swap3A_271 = arith.constant 0 : index
        %swap3A_272 = tpu.vector_load %arg10[%swap3A, %swap3A_271] {strides = array<i32>} : memref<128x64xf32, #tpu.memory_space<vmem>>, vector<16xf32>,
        tpu.vector_store %arg10[%swap3A, %swap3A_271], %broadcast_in_dim3A_3 {strides = array<i32>} : memref<128x64xf32, #tpu.memory_space<vmem>>, vector<16xf32>,
        %mul3A_273 = arith.constant 2.500000e-01 : f32
        %mul3A_274 = vector.broadcast %mul3A_273 : f32 to vector<16xf32>
        %mul3A_275 = arith.mulf %get3A_270, %mul3A_274 : vector<16xf32>
        tpu.vector_store_idx %arg12[%add3A_12, %and3A_7, %add3A_268], %mul3A_275 : memref<8x8x129xf32, #tpu.memory_space<vmem>>[vector<16xi32>, vector<16xi32>, vector<16xi32>], vector<16xf32>,
        %get3A_276 = arith.index_cast %scan3A_266 : i32 to index
        %get3A_277 = arith.constant 16 : index
        %get3A_278 = tpu.vector_load %arg10[%get3A_276, %get3A_277] {strides = array<i32>} : memref<128x64xf32, #tpu.memory_space<vmem>>, vector<16xf32>,
        %swap3A_279 = arith.index_cast %scan3A_266 : i32 to index
        %swap3A_280 = arith.constant 16 : index
        %swap3A_281 = tpu.vector_load %arg10[%swap3A_279, %swap3A_280] {strides = array<i32>} : memref<128x64xf32, #tpu.memory_space<vmem>>, vector<16xf32>,
        tpu.vector_store %arg10[%swap3A_279, %swap3A_280], %broadcast_in_dim3A_3 {strides = array<i32>} : memref<128x64xf32, #tpu.memory_space<vmem>>, vector<16xf32>,
        %mul3A_282 = arith.constant 2.500000e-01 : f32
        %mul3A_283 = vector.broadcast %mul3A_282 : f32 to vector<16xf32>
        %mul3A_284 = arith.mulf %get3A_278, %mul3A_283 : vector<16xf32>
        tpu.vector_store_idx %arg12[%add3A_15, %and3A_7, %add3A_268], %mul3A_284 : memref<8x8x129xf32, #tpu.memory_space<vmem>>[vector<16xi32>, vector<16xi32>, vector<16xi32>], vector<16xf32>,
        %get3A_285 = arith.index_cast %scan3A_266 : i32 to index
        %get3A_286 = arith.constant 32 : index
        %get3A_287 = tpu.vector_load %arg10[%get3A_285, %get3A_286] {strides = array<i32>} : memref<128x64xf32, #tpu.memory_space<vmem>>, vector<16xf32>,
        %swap3A_288 = arith.index_cast %scan3A_266 : i32 to index
        %swap3A_289 = arith.constant 32 : index
        %swap3A_290 = tpu.vector_load %arg10[%swap3A_288, %swap3A_289] {strides = array<i32>} : memref<128x64xf32, #tpu.memory_space<vmem>>, vector<16xf32>,
        tpu.vector_store %arg10[%swap3A_288, %swap3A_289], %broadcast_in_dim3A_3 {strides = array<i32>} : memref<128x64xf32, #tpu.memory_space<vmem>>, vector<16xf32>,
        %mul3A_291 = arith.constant 2.500000e-01 : f32
        %mul3A_292 = vector.broadcast %mul3A_291 : f32 to vector<16xf32>
        %mul3A_293 = arith.mulf %get3A_287, %mul3A_292 : vector<16xf32>
        tpu.vector_store_idx %arg12[%add3A_18, %and3A_7, %add3A_268], %mul3A_293 : memref<8x8x129xf32, #tpu.memory_space<vmem>>[vector<16xi32>, vector<16xi32>, vector<16xi32>], vector<16xf32>,
        %get3A_294 = arith.index_cast %scan3A_266 : i32 to index
        %get3A_295 = arith.constant 48 : index
        %get3A_296 = tpu.vector_load %arg10[%get3A_294, %get3A_295] {strides = array<i32>} : memref<128x64xf32, #tpu.memory_space<vmem>>, vector<16xf32>,
        %swap3A_297 = arith.index_cast %scan3A_266 : i32 to index
        %swap3A_298 = arith.constant 48 : index
        %swap3A_299 = tpu.vector_load %arg10[%swap3A_297, %swap3A_298] {strides = array<i32>} : memref<128x64xf32, #tpu.memory_space<vmem>>, vector<16xf32>,
        tpu.vector_store %arg10[%swap3A_297, %swap3A_298], %broadcast_in_dim3A_3 {strides = array<i32>} : memref<128x64xf32, #tpu.memory_space<vmem>>, vector<16xf32>,
        %mul3A_300 = arith.constant 2.500000e-01 : f32
        %mul3A_301 = vector.broadcast %mul3A_300 : f32 to vector<16xf32>
        %mul3A_302 = arith.mulf %get3A_296, %mul3A_301 : vector<16xf32>
        tpu.vector_store_idx %arg12[%add3A_21, %and3A_7, %add3A_268], %mul3A_302 : memref<8x8x129xf32, #tpu.memory_space<vmem>>[vector<16xi32>, vector<16xi32>, vector<16xi32>], vector<16xf32>,
        %scan3A_303 = arith.constant 1 : i32
        %scan3A_304 = arith.addi %scan3A_266, %scan3A_303 : i32
        %add3A_305 = vector.broadcast %scan3A_304 : i32 to vector<16xi32>
        %add3A_306 = arith.addi %broadcast_in_dim3A_5, %add3A_305 : vector<16xi32>
        %get3A_307 = arith.index_cast %scan3A_304 : i32 to index
        %get3A_308 = arith.constant 0 : index
        %get3A_309 = tpu.vector_load %arg10[%get3A_307, %get3A_308] {strides = array<i32>} : memref<128x64xf32, #tpu.memory_space<vmem>>, vector<16xf32>,
        %swap3A_310 = arith.index_cast %scan3A_304 : i32 to index
        %swap3A_311 = arith.constant 0 : index
        %swap3A_312 = tpu.vector_load %arg10[%swap3A_310, %swap3A_311] {strides = array<i32>} : memref<128x64xf32, #tpu.memory_space<vmem>>, vector<16xf32>,
        tpu.vector_store %arg10[%swap3A_310, %swap3A_311], %broadcast_in_dim3A_3 {strides = array<i32>} : memref<128x64xf32, #tpu.memory_space<vmem>>, vector<16xf32>,
        %mul3A_313 = arith.constant 2.500000e-01 : f32
        %mul3A_314 = vector.broadcast %mul3A_313 : f32 to vector<16xf32>
        %mul3A_315 = arith.mulf %get3A_309, %mul3A_314 : vector<16xf32>
        tpu.vector_store_idx %arg12[%add3A_12, %and3A_7, %add3A_306], %mul3A_315 : memref<8x8x129xf32, #tpu.memory_space<vmem>>[vector<16xi32>, vector<16xi32>, vector<16xi32>], vector<16xf32>,
        %get3A_316 = arith.index_cast %scan3A_304 : i32 to index
        %get3A_317 = arith.constant 16 : index
        %get3A_318 = tpu.vector_load %arg10[%get3A_316, %get3A_317] {strides = array<i32>} : memref<128x64xf32, #tpu.memory_space<vmem>>, vector<16xf32>,
        %swap3A_319 = arith.index_cast %scan3A_304 : i32 to index
        %swap3A_320 = arith.constant 16 : index
        %swap3A_321 = tpu.vector_load %arg10[%swap3A_319, %swap3A_320] {strides = array<i32>} : memref<128x64xf32, #tpu.memory_space<vmem>>, vector<16xf32>,
        tpu.vector_store %arg10[%swap3A_319, %swap3A_320], %broadcast_in_dim3A_3 {strides = array<i32>} : memref<128x64xf32, #tpu.memory_space<vmem>>, vector<16xf32>,
        %mul3A_322 = arith.constant 2.500000e-01 : f32
        %mul3A_323 = vector.broadcast %mul3A_322 : f32 to vector<16xf32>
        %mul3A_324 = arith.mulf %get3A_318, %mul3A_323 : vector<16xf32>
        tpu.vector_store_idx %arg12[%add3A_15, %and3A_7, %add3A_306], %mul3A_324 : memref<8x8x129xf32, #tpu.memory_space<vmem>>[vector<16xi32>, vector<16xi32>, vector<16xi32>], vector<16xf32>,
        %get3A_325 = arith.index_cast %scan3A_304 : i32 to index
        %get3A_326 = arith.constant 32 : index
        %get3A_327 = tpu.vector_load %arg10[%get3A_325, %get3A_326] {strides = array<i32>} : memref<128x64xf32, #tpu.memory_space<vmem>>, vector<16xf32>,
        %swap3A_328 = arith.index_cast %scan3A_304 : i32 to index
        %swap3A_329 = arith.constant 32 : index
        %swap3A_330 = tpu.vector_load %arg10[%swap3A_328, %swap3A_329] {strides = array<i32>} : memref<128x64xf32, #tpu.memory_space<vmem>>, vector<16xf32>,
        tpu.vector_store %arg10[%swap3A_328, %swap3A_329], %broadcast_in_dim3A_3 {strides = array<i32>} : memref<128x64xf32, #tpu.memory_space<vmem>>, vector<16xf32>,
        %mul3A_331 = arith.constant 2.500000e-01 : f32
        %mul3A_332 = vector.broadcast %mul3A_331 : f32 to vector<16xf32>
        %mul3A_333 = arith.mulf %get3A_327, %mul3A_332 : vector<16xf32>
        tpu.vector_store_idx %arg12[%add3A_18, %and3A_7, %add3A_306], %mul3A_333 : memref<8x8x129xf32, #tpu.memory_space<vmem>>[vector<16xi32>, vector<16xi32>, vector<16xi32>], vector<16xf32>,
        %get3A_334 = arith.index_cast %scan3A_304 : i32 to index
        %get3A_335 = arith.constant 48 : index
        %get3A_336 = tpu.vector_load %arg10[%get3A_334, %get3A_335] {strides = array<i32>} : memref<128x64xf32, #tpu.memory_space<vmem>>, vector<16xf32>,
        %swap3A_337 = arith.index_cast %scan3A_304 : i32 to index
        %swap3A_338 = arith.constant 48 : index
        %swap3A_339 = tpu.vector_load %arg10[%swap3A_337, %swap3A_338] {strides = array<i32>} : memref<128x64xf32, #tpu.memory_space<vmem>>, vector<16xf32>,
        tpu.vector_store %arg10[%swap3A_337, %swap3A_338], %broadcast_in_dim3A_3 {strides = array<i32>} : memref<128x64xf32, #tpu.memory_space<vmem>>, vector<16xf32>,
        %mul3A_340 = arith.constant 2.500000e-01 : f32
        %mul3A_341 = vector.broadcast %mul3A_340 : f32 to vector<16xf32>
        %mul3A_342 = arith.mulf %get3A_336, %mul3A_341 : vector<16xf32>
        tpu.vector_store_idx %arg12[%add3A_21, %and3A_7, %add3A_306], %mul3A_342 : memref<8x8x129xf32, #tpu.memory_space<vmem>>[vector<16xi32>, vector<16xi32>, vector<16xi32>], vector<16xf32>,
        %scan3A_343 = arith.constant 2 : i32
        %scan3A_344 = arith.addi %scan3A_266, %scan3A_343 : i32
        %add3A_345 = vector.broadcast %scan3A_344 : i32 to vector<16xi32>
        %add3A_346 = arith.addi %broadcast_in_dim3A_5, %add3A_345 : vector<16xi32>
        %get3A_347 = arith.index_cast %scan3A_344 : i32 to index
        %get3A_348 = arith.constant 0 : index
        %get3A_349 = tpu.vector_load %arg10[%get3A_347, %get3A_348] {strides = array<i32>} : memref<128x64xf32, #tpu.memory_space<vmem>>, vector<16xf32>,
        %swap3A_350 = arith.index_cast %scan3A_344 : i32 to index
        %swap3A_351 = arith.constant 0 : index
        %swap3A_352 = tpu.vector_load %arg10[%swap3A_350, %swap3A_351] {strides = array<i32>} : memref<128x64xf32, #tpu.memory_space<vmem>>, vector<16xf32>,
        tpu.vector_store %arg10[%swap3A_350, %swap3A_351], %broadcast_in_dim3A_3 {strides = array<i32>} : memref<128x64xf32, #tpu.memory_space<vmem>>, vector<16xf32>,
        %mul3A_353 = arith.constant 2.500000e-01 : f32
        %mul3A_354 = vector.broadcast %mul3A_353 : f32 to vector<16xf32>
        %mul3A_355 = arith.mulf %get3A_349, %mul3A_354 : vector<16xf32>
        tpu.vector_store_idx %arg12[%add3A_12, %and3A_7, %add3A_346], %mul3A_355 : memref<8x8x129xf32, #tpu.memory_space<vmem>>[vector<16xi32>, vector<16xi32>, vector<16xi32>], vector<16xf32>,
        %get3A_356 = arith.index_cast %scan3A_344 : i32 to index
        %get3A_357 = arith.constant 16 : index
        %get3A_358 = tpu.vector_load %arg10[%get3A_356, %get3A_357] {strides = array<i32>} : memref<128x64xf32, #tpu.memory_space<vmem>>, vector<16xf32>,
        %swap3A_359 = arith.index_cast %scan3A_344 : i32 to index
        %swap3A_360 = arith.constant 16 : index
        %swap3A_361 = tpu.vector_load %arg10[%swap3A_359, %swap3A_360] {strides = array<i32>} : memref<128x64xf32, #tpu.memory_space<vmem>>, vector<16xf32>,
        tpu.vector_store %arg10[%swap3A_359, %swap3A_360], %broadcast_in_dim3A_3 {strides = array<i32>} : memref<128x64xf32, #tpu.memory_space<vmem>>, vector<16xf32>,
        %mul3A_362 = arith.constant 2.500000e-01 : f32
        %mul3A_363 = vector.broadcast %mul3A_362 : f32 to vector<16xf32>
        %mul3A_364 = arith.mulf %get3A_358, %mul3A_363 : vector<16xf32>
        tpu.vector_store_idx %arg12[%add3A_15, %and3A_7, %add3A_346], %mul3A_364 : memref<8x8x129xf32, #tpu.memory_space<vmem>>[vector<16xi32>, vector<16xi32>, vector<16xi32>], vector<16xf32>,
        %get3A_365 = arith.index_cast %scan3A_344 : i32 to index
        %get3A_366 = arith.constant 32 : index
        %get3A_367 = tpu.vector_load %arg10[%get3A_365, %get3A_366] {strides = array<i32>} : memref<128x64xf32, #tpu.memory_space<vmem>>, vector<16xf32>,
        %swap3A_368 = arith.index_cast %scan3A_344 : i32 to index
        %swap3A_369 = arith.constant 32 : index
        %swap3A_370 = tpu.vector_load %arg10[%swap3A_368, %swap3A_369] {strides = array<i32>} : memref<128x64xf32, #tpu.memory_space<vmem>>, vector<16xf32>,
        tpu.vector_store %arg10[%swap3A_368, %swap3A_369], %broadcast_in_dim3A_3 {strides = array<i32>} : memref<128x64xf32, #tpu.memory_space<vmem>>, vector<16xf32>,
        %mul3A_371 = arith.constant 2.500000e-01 : f32
        %mul3A_372 = vector.broadcast %mul3A_371 : f32 to vector<16xf32>
        %mul3A_373 = arith.mulf %get3A_367, %mul3A_372 : vector<16xf32>
        tpu.vector_store_idx %arg12[%add3A_18, %and3A_7, %add3A_346], %mul3A_373 : memref<8x8x129xf32, #tpu.memory_space<vmem>>[vector<16xi32>, vector<16xi32>, vector<16xi32>], vector<16xf32>,
        %get3A_374 = arith.index_cast %scan3A_344 : i32 to index
        %get3A_375 = arith.constant 48 : index
        %get3A_376 = tpu.vector_load %arg10[%get3A_374, %get3A_375] {strides = array<i32>} : memref<128x64xf32, #tpu.memory_space<vmem>>, vector<16xf32>,
        %swap3A_377 = arith.index_cast %scan3A_344 : i32 to index
        %swap3A_378 = arith.constant 48 : index
        %swap3A_379 = tpu.vector_load %arg10[%swap3A_377, %swap3A_378] {strides = array<i32>} : memref<128x64xf32, #tpu.memory_space<vmem>>, vector<16xf32>,
        tpu.vector_store %arg10[%swap3A_377, %swap3A_378], %broadcast_in_dim3A_3 {strides = array<i32>} : memref<128x64xf32, #tpu.memory_space<vmem>>, vector<16xf32>,
        %mul3A_380 = arith.constant 2.500000e-01 : f32
        %mul3A_381 = vector.broadcast %mul3A_380 : f32 to vector<16xf32>
        %mul3A_382 = arith.mulf %get3A_376, %mul3A_381 : vector<16xf32>
        tpu.vector_store_idx %arg12[%add3A_21, %and3A_7, %add3A_346], %mul3A_382 : memref<8x8x129xf32, #tpu.memory_space<vmem>>[vector<16xi32>, vector<16xi32>, vector<16xi32>], vector<16xf32>,
        %scan3A_383 = arith.constant 3 : i32
        %scan3A_384 = arith.addi %scan3A_266, %scan3A_383 : i32
        %add3A_385 = vector.broadcast %scan3A_384 : i32 to vector<16xi32>
        %add3A_386 = arith.addi %broadcast_in_dim3A_5, %add3A_385 : vector<16xi32>
        %get3A_387 = arith.index_cast %scan3A_384 : i32 to index
        %get3A_388 = arith.constant 0 : index
        %get3A_389 = tpu.vector_load %arg10[%get3A_387, %get3A_388] {strides = array<i32>} : memref<128x64xf32, #tpu.memory_space<vmem>>, vector<16xf32>,
        %swap3A_390 = arith.index_cast %scan3A_384 : i32 to index
        %swap3A_391 = arith.constant 0 : index
        %swap3A_392 = tpu.vector_load %arg10[%swap3A_390, %swap3A_391] {strides = array<i32>} : memref<128x64xf32, #tpu.memory_space<vmem>>, vector<16xf32>,
        tpu.vector_store %arg10[%swap3A_390, %swap3A_391], %broadcast_in_dim3A_3 {strides = array<i32>} : memref<128x64xf32, #tpu.memory_space<vmem>>, vector<16xf32>,
        %mul3A_393 = arith.constant 2.500000e-01 : f32
        %mul3A_394 = vector.broadcast %mul3A_393 : f32 to vector<16xf32>
        %mul3A_395 = arith.mulf %get3A_389, %mul3A_394 : vector<16xf32>
        tpu.vector_store_idx %arg12[%add3A_12, %and3A_7, %add3A_386], %mul3A_395 : memref<8x8x129xf32, #tpu.memory_space<vmem>>[vector<16xi32>, vector<16xi32>, vector<16xi32>], vector<16xf32>,
        %get3A_396 = arith.index_cast %scan3A_384 : i32 to index
        %get3A_397 = arith.constant 16 : index
        %get3A_398 = tpu.vector_load %arg10[%get3A_396, %get3A_397] {strides = array<i32>} : memref<128x64xf32, #tpu.memory_space<vmem>>, vector<16xf32>,
        %swap3A_399 = arith.index_cast %scan3A_384 : i32 to index
        %swap3A_400 = arith.constant 16 : index
        %swap3A_401 = tpu.vector_load %arg10[%swap3A_399, %swap3A_400] {strides = array<i32>} : memref<128x64xf32, #tpu.memory_space<vmem>>, vector<16xf32>,
        tpu.vector_store %arg10[%swap3A_399, %swap3A_400], %broadcast_in_dim3A_3 {strides = array<i32>} : memref<128x64xf32, #tpu.memory_space<vmem>>, vector<16xf32>,
        %mul3A_402 = arith.constant 2.500000e-01 : f32
        %mul3A_403 = vector.broadcast %mul3A_402 : f32 to vector<16xf32>
        %mul3A_404 = arith.mulf %get3A_398, %mul3A_403 : vector<16xf32>
        tpu.vector_store_idx %arg12[%add3A_15, %and3A_7, %add3A_386], %mul3A_404 : memref<8x8x129xf32, #tpu.memory_space<vmem>>[vector<16xi32>, vector<16xi32>, vector<16xi32>], vector<16xf32>,
        %get3A_405 = arith.index_cast %scan3A_384 : i32 to index
        %get3A_406 = arith.constant 32 : index
        %get3A_407 = tpu.vector_load %arg10[%get3A_405, %get3A_406] {strides = array<i32>} : memref<128x64xf32, #tpu.memory_space<vmem>>, vector<16xf32>,
        %swap3A_408 = arith.index_cast %scan3A_384 : i32 to index
        %swap3A_409 = arith.constant 32 : index
        %swap3A_410 = tpu.vector_load %arg10[%swap3A_408, %swap3A_409] {strides = array<i32>} : memref<128x64xf32, #tpu.memory_space<vmem>>, vector<16xf32>,
        tpu.vector_store %arg10[%swap3A_408, %swap3A_409], %broadcast_in_dim3A_3 {strides = array<i32>} : memref<128x64xf32, #tpu.memory_space<vmem>>, vector<16xf32>,
        %mul3A_411 = arith.constant 2.500000e-01 : f32
        %mul3A_412 = vector.broadcast %mul3A_411 : f32 to vector<16xf32>
        %mul3A_413 = arith.mulf %get3A_407, %mul3A_412 : vector<16xf32>
        tpu.vector_store_idx %arg12[%add3A_18, %and3A_7, %add3A_386], %mul3A_413 : memref<8x8x129xf32, #tpu.memory_space<vmem>>[vector<16xi32>, vector<16xi32>, vector<16xi32>], vector<16xf32>,
        %get3A_414 = arith.index_cast %scan3A_384 : i32 to index
        %get3A_415 = arith.constant 48 : index
        %get3A_416 = tpu.vector_load %arg10[%get3A_414, %get3A_415] {strides = array<i32>} : memref<128x64xf32, #tpu.memory_space<vmem>>, vector<16xf32>,
        %swap3A_417 = arith.index_cast %scan3A_384 : i32 to index
        %swap3A_418 = arith.constant 48 : index
        %swap3A_419 = tpu.vector_load %arg10[%swap3A_417, %swap3A_418] {strides = array<i32>} : memref<128x64xf32, #tpu.memory_space<vmem>>, vector<16xf32>,
        tpu.vector_store %arg10[%swap3A_417, %swap3A_418], %broadcast_in_dim3A_3 {strides = array<i32>} : memref<128x64xf32, #tpu.memory_space<vmem>>, vector<16xf32>,
        %mul3A_420 = arith.constant 2.500000e-01 : f32
        %mul3A_421 = vector.broadcast %mul3A_420 : f32 to vector<16xf32>
        %mul3A_422 = arith.mulf %get3A_416, %mul3A_421 : vector<16xf32>
        tpu.vector_store_idx %arg12[%add3A_21, %and3A_7, %add3A_386], %mul3A_422 : memref<8x8x129xf32, #tpu.memory_space<vmem>>[vector<16xi32>, vector<16xi32>, vector<16xi32>], vector<16xf32>,
      }
      %scan3A_240 = arith.constant 128 : i32
      %dma_start3A_241 = arith.constant 0 : i32
      %dma_start3A_242 = arith.constant 0 : i32
      %dma_start3A_243 = arith.constant 0 : i32
      %dma_start3A_244 = tpu.memref_slice %arg12[%dma_start3A_241, %dma_start3A_242, %dma_start3A_243] : memref<8x8x129xf32, #tpu.memory_space<vmem>> -> memref<8x8x128xf32, #tpu.memory_space<vmem>>
      %dma_start3A_245 = arith.constant 0 : i32
      %dma_start3A_246 = arith.constant 0 : i32
      %dma_start3A_247 = arith.constant 0 : i32
      %dma_start3A_248 = tpu.memref_slice %arg7[%add3A_201, %dma_start3A_245, %add3A, %dma_start3A_246, %dma_start3A_247] : memref<50x8x32x8x128xf32, #tpu.memory_space<hbm>> -> memref<1x8x1x8x128xf32, #tpu.memory_space<hbm>>
      %dma_start3A_249 = tpu.memref_squeeze %dma_start3A_248 : memref<1x8x1x8x128xf32, #tpu.memory_space<hbm>> -> memref<8x8x128xf32, #tpu.memory_space<hbm>>
      %dma_start3A_250 = arith.constant 0 : i32
      %dma_start3A_251 = arith.constant 0 : i32
      %dma_start3A_252 = arith.constant 0 : i32
      %dma_start3A_253 = tpu.memref_slice %arg7[%add3A_201, %dma_start3A_250, %add3A, %dma_start3A_251, %dma_start3A_252] : memref<50x8x32x8x128xf32, #tpu.memory_space<hbm>> -> memref<1x8x1x8x128xf32, #tpu.memory_space<hbm>>
      %dma_start3A_254 = tpu.memref_squeeze %dma_start3A_253 : memref<1x8x1x8x128xf32, #tpu.memory_space<hbm>> -> memref<8x8x128xf32, #tpu.memory_space<hbm>>
      %dma_start3A_255 = arith.constant 0 : i32
      %dma_start3A_256 = arith.constant 0 : i32
      %dma_start3A_257 = arith.constant 0 : i32
      %dma_start3A_258 = tpu.memref_slice %arg12[%dma_start3A_255, %dma_start3A_256, %dma_start3A_257] : memref<8x8x129xf32, #tpu.memory_space<vmem>> -> memref<8x8x128xf32, #tpu.memory_space<vmem>>
      tpu.enqueue_dma source(%dma_start3A_258 : memref<8x8x128xf32, #tpu.memory_space<vmem>>) target(%dma_start3A_254 : memref<8x8x128xf32, #tpu.memory_space<hbm>>) target_semaphore(%arg16 : memref<!tpu.dma_semaphore, #tpu.memory_space<semaphore_mem>>)
      %add3A_259 = arith.constant 2 : i32
      %add3A_260 = arith.addi %add3A_201, %add3A_259 : i32
      %lt3A_261 = arith.constant 50 : i32
      %lt3A_262 = arith.cmpi slt, %add3A_260, %lt3A_261 : i32
      %convert_element_type3A_263 = arith.extui %lt3A_262 : i1 to i32
      %cond3A_264 = arith.constant 0 : i32
      %cond3A_265 = arith.cmpi ne, %convert_element_type3A_263, %cond3A_264 : i32
      scf.if %cond3A_265 {
        %add3A_266 = arith.constant 2 : i32
        %add3A_267 = arith.addi %add3A_201, %add3A_266 : i32
        %dma_start3A_268 = arith.constant 0 : i32
        %dma_start3A_269 = tpu.memref_slice %arg8[%add3A_267, %dma_start3A_268] : memref<50x128xi32, #tpu.memory_space<vmem>> -> memref<1x128xi32, #tpu.memory_space<vmem>>
        %dma_start3A_270 = tpu.memref_squeeze %dma_start3A_269 : memref<1x128xi32, #tpu.memory_space<vmem>> -> memref<128xi32, #tpu.memory_space<vmem>>
        %dma_start3A_271 = arith.constant 0 : i32
        %dma_start3A_272 = arith.constant 0 : i32
        %dma_start3A_273 = tpu.memref_slice %arg3[%dma_start3A_271, %dma_start3A_272] : memref<100000x64xf32, #tpu.memory_space<hbm>> -> memref<100000x64xf32, #tpu.memory_space<hbm>>
        tpu.enqueue_indirect_dma source(%dma_start3A_273 : memref<100000x64xf32, #tpu.memory_space<hbm>>) target(%arg10 : memref<128x64xf32, #tpu.memory_space<vmem>>) offsets(%dma_start3A_270 : memref<128xi32, #tpu.memory_space<vmem>>) semaphore(%arg14 : memref<!tpu.dma_semaphore, #tpu.memory_space<semaphore_mem>>) {add = true}
        %dma_start3A_274 = arith.constant 0 : i32
        %dma_start3A_275 = tpu.memref_slice %arg8[%add3A_267, %dma_start3A_274] : memref<50x128xi32, #tpu.memory_space<vmem>> -> memref<1x128xi32, #tpu.memory_space<vmem>>
        %dma_start3A_276 = tpu.memref_squeeze %dma_start3A_275 : memref<1x128xi32, #tpu.memory_space<vmem>> -> memref<128xi32, #tpu.memory_space<vmem>>
        %dma_start3A_277 = arith.constant 0 : i32
        %dma_start3A_278 = arith.constant 0 : i32
        %dma_start3A_279 = tpu.memref_slice %arg4[%dma_start3A_277, %dma_start3A_278] : memref<100000x64xf32, #tpu.memory_space<hbm>> -> memref<100000x64xf32, #tpu.memory_space<hbm>>
        tpu.enqueue_indirect_dma source(%dma_start3A_279 : memref<100000x64xf32, #tpu.memory_space<hbm>>) target(%arg10 : memref<128x64xf32, #tpu.memory_space<vmem>>) offsets(%dma_start3A_276 : memref<128xi32, #tpu.memory_space<vmem>>) semaphore(%arg14 : memref<!tpu.dma_semaphore, #tpu.memory_space<semaphore_mem>>) {add = true}
        %dma_start3A_280 = arith.constant 0 : i32
        %dma_start3A_281 = tpu.memref_slice %arg8[%add3A_267, %dma_start3A_280] : memref<50x128xi32, #tpu.memory_space<vmem>> -> memref<1x128xi32, #tpu.memory_space<vmem>>
        %dma_start3A_282 = tpu.memref_squeeze %dma_start3A_281 : memref<1x128xi32, #tpu.memory_space<vmem>> -> memref<128xi32, #tpu.memory_space<vmem>>
        %dma_start3A_283 = arith.constant 0 : i32
        %dma_start3A_284 = arith.constant 0 : i32
        %dma_start3A_285 = tpu.memref_slice %arg5[%dma_start3A_283, %dma_start3A_284] : memref<100000x64xf32, #tpu.memory_space<hbm>> -> memref<100000x64xf32, #tpu.memory_space<hbm>>
        tpu.enqueue_indirect_dma source(%dma_start3A_285 : memref<100000x64xf32, #tpu.memory_space<hbm>>) target(%arg10 : memref<128x64xf32, #tpu.memory_space<vmem>>) offsets(%dma_start3A_282 : memref<128xi32, #tpu.memory_space<vmem>>) semaphore(%arg14 : memref<!tpu.dma_semaphore, #tpu.memory_space<semaphore_mem>>) {add = true}
        %dma_start3A_286 = arith.constant 0 : i32
        %dma_start3A_287 = tpu.memref_slice %arg8[%add3A_267, %dma_start3A_286] : memref<50x128xi32, #tpu.memory_space<vmem>> -> memref<1x128xi32, #tpu.memory_space<vmem>>
        %dma_start3A_288 = tpu.memref_squeeze %dma_start3A_287 : memref<1x128xi32, #tpu.memory_space<vmem>> -> memref<128xi32, #tpu.memory_space<vmem>>
        %dma_start3A_289 = arith.constant 0 : i32
        %dma_start3A_290 = arith.constant 0 : i32
        %dma_start3A_291 = tpu.memref_slice %arg6[%dma_start3A_289, %dma_start3A_290] : memref<100000x64xf32, #tpu.memory_space<hbm>> -> memref<100000x64xf32, #tpu.memory_space<hbm>>
        tpu.enqueue_indirect_dma source(%dma_start3A_291 : memref<100000x64xf32, #tpu.memory_space<hbm>>) target(%arg10 : memref<128x64xf32, #tpu.memory_space<vmem>>) offsets(%dma_start3A_288 : memref<128xi32, #tpu.memory_space<vmem>>) semaphore(%arg14 : memref<!tpu.dma_semaphore, #tpu.memory_space<semaphore_mem>>) {add = true}
      } else {
      }
    }
    %scan3A_93 = arith.constant 25 : i32
    %dma_wait3A = arith.constant 0 : i32
    %dma_wait3A_94 = arith.constant 0 : i32
    %dma_wait3A_95 = arith.constant 0 : i32
    %dma_wait3A_96 = arith.constant 0 : i32
    %dma_wait3A_97 = arith.constant 0 : i32
    %dma_wait3A_98 = tpu.memref_slice %arg11[%dma_wait3A_95, %dma_wait3A_96, %dma_wait3A_97] : memref<8x8x129xf32, #tpu.memory_space<vmem>> -> memref<8x8x128xf32, #tpu.memory_space<vmem>>
    %dma_wait3A_99 = arith.constant 0 : i32
    %dma_wait3A_100 = arith.constant 0 : i32
    %dma_wait3A_101 = arith.constant 0 : i32
    %dma_wait3A_102 = tpu.memref_slice %arg7[%dma_wait3A, %dma_wait3A_99, %dma_wait3A_94, %dma_wait3A_100, %dma_wait3A_101] : memref<50x8x32x8x128xf32, #tpu.memory_space<hbm>> -> memref<1x8x1x8x128xf32, #tpu.memory_space<hbm>>
    %dma_wait3A_103 = tpu.memref_squeeze %dma_wait3A_102 : memref<1x8x1x8x128xf32, #tpu.memory_space<hbm>> -> memref<8x8x128xf32, #tpu.memory_space<hbm>>
    %dma_wait3A_104 = arith.constant 0 : i32
    %dma_wait3A_105 = arith.constant 0 : i32
    %dma_wait3A_106 = arith.constant 0 : i32
    %dma_wait3A_107 = tpu.memref_slice %arg7[%dma_wait3A, %dma_wait3A_104, %dma_wait3A_94, %dma_wait3A_105, %dma_wait3A_106] : memref<50x8x32x8x128xf32, #tpu.memory_space<hbm>> -> memref<1x8x1x8x128xf32, #tpu.memory_space<hbm>>
    %dma_wait3A_108 = tpu.memref_squeeze %dma_wait3A_107 : memref<1x8x1x8x128xf32, #tpu.memory_space<hbm>> -> memref<8x8x128xf32, #tpu.memory_space<hbm>>
    %dma_wait3A_109 = arith.constant 0 : i32
    %dma_wait3A_110 = arith.constant 0 : i32
    %dma_wait3A_111 = arith.constant 0 : i32
    %dma_wait3A_112 = tpu.memref_slice %arg11[%dma_wait3A_109, %dma_wait3A_110, %dma_wait3A_111] : memref<8x8x129xf32, #tpu.memory_space<vmem>> -> memref<8x8x128xf32, #tpu.memory_space<vmem>>
    tpu.wait_dma2 semaphore(%arg15 : memref<!tpu.dma_semaphore, #tpu.memory_space<semaphore_mem>>) src(%dma_wait3A_112 : memref<8x8x128xf32, #tpu.memory_space<vmem>>) dst(%dma_wait3A_108 : memref<8x8x128xf32, #tpu.memory_space<hbm>>)
    %dma_wait3A_113 = arith.constant 0 : i32
    %dma_wait3A_114 = arith.constant 0 : i32
    %dma_wait3A_115 = arith.constant 0 : i32
    %dma_wait3A_116 = arith.constant 0 : i32
    %dma_wait3A_117 = arith.constant 0 : i32
    %dma_wait3A_118 = tpu.memref_slice %arg12[%dma_wait3A_115, %dma_wait3A_116, %dma_wait3A_117] : memref<8x8x129xf32, #tpu.memory_space<vmem>> -> memref<8x8x128xf32, #tpu.memory_space<vmem>>
    %dma_wait3A_119 = arith.constant 0 : i32
    %dma_wait3A_120 = arith.constant 0 : i32
    %dma_wait3A_121 = arith.constant 0 : i32
    %dma_wait3A_122 = tpu.memref_slice %arg7[%dma_wait3A_113, %dma_wait3A_119, %dma_wait3A_114, %dma_wait3A_120, %dma_wait3A_121] : memref<50x8x32x8x128xf32, #tpu.memory_space<hbm>> -> memref<1x8x1x8x128xf32, #tpu.memory_space<hbm>>
    %dma_wait3A_123 = tpu.memref_squeeze %dma_wait3A_122 : memref<1x8x1x8x128xf32, #tpu.memory_space<hbm>> -> memref<8x8x128xf32, #tpu.memory_space<hbm>>
    %dma_wait3A_124 = arith.constant 0 : i32
    %dma_wait3A_125 = arith.constant 0 : i32
    %dma_wait3A_126 = arith.constant 0 : i32
    %dma_wait3A_127 = tpu.memref_slice %arg7[%dma_wait3A_113, %dma_wait3A_124, %dma_wait3A_114, %dma_wait3A_125, %dma_wait3A_126] : memref<50x8x32x8x128xf32, #tpu.memory_space<hbm>> -> memref<1x8x1x8x128xf32, #tpu.memory_space<hbm>>
    %dma_wait3A_128 = tpu.memref_squeeze %dma_wait3A_127 : memref<1x8x1x8x128xf32, #tpu.memory_space<hbm>> -> memref<8x8x128xf32, #tpu.memory_space<hbm>>
    %dma_wait3A_129 = arith.constant 0 : i32
    %dma_wait3A_130 = arith.constant 0 : i32
    %dma_wait3A_131 = arith.constant 0 : i32
    %dma_wait3A_132 = tpu.memref_slice %arg12[%dma_wait3A_129, %dma_wait3A_130, %dma_wait3A_131] : memref<8x8x129xf32, #tpu.memory_space<vmem>> -> memref<8x8x128xf32, #tpu.memory_space<vmem>>
    tpu.wait_dma2 semaphore(%arg16 : memref<!tpu.dma_semaphore, #tpu.memory_space<semaphore_mem>>) src(%dma_wait3A_132 : memref<8x8x128xf32, #tpu.memory_space<vmem>>) dst(%dma_wait3A_128 : memref<8x8x128xf32, #tpu.memory_space<hbm>>)
    return
  }
}

</mosaic_0001>

<sc_bundles>
// kernel: kernel.3.cloned.1.call-start
scs
__scs_entry_jumppad:
0x0: {  	(pc) =	sbr.rel $0x88, $3  }
0x1: {  	(tag) =	ssettag $0x0;
	lr =	simm.s32 $0x1  }
0x2: {  	[smem:$0x3F9C] =	sst lr;
	_ =	strace $0xD0000000  }
0x3: {  	_ = 	snop  }
0x4: {  	_ = 	snop  }
0x5: {  	_ = 	snop  }
0x6: {  	_ = 	snop  }
0x7: {  	_ = 	snop  }
__scs_overlays_trampoline_lowered:
0x8: {  	[smem:$0x3FAB] =	sst s0  }
0x9: {  	[smem:$0x3FAC] =	sst s1  }
0xa: {  	[smem:$0x3FAD] =	sst s2  }
0xb: {  	[smem:$0x3FAE] =	sst s3  }
0xc: {  	[smem:$0x3FAF] =	sst s4  }
0xd: {  	[smem:$0x3FB0] =	sst s5  }
0xe: {  	[smem:$0x3FB1] =	sst s6  }
0xf: {  	[smem:$0x3FB2] =	sst s7  }
0x10: {  	[smem:$0x3FB3] =	sst s8  }
0x11: {  	[smem:$0x3FB4] =	sst s9;
	s0 =	simm.s32 @!p0 $0x0  }
0x12: {  	s1 =	sld [smem:$0x3F9A];
	s0 =	simm.s32 @p0 $0x1  }
0x13: {  	[smem:$0x3FB5] =	sst s0;
	s0 =	simm.s32 @!p1 $0x0  }
0x14: {  	s2 =	sld [smem:$0x3F99];
	s0 =	simm.s32 @p1 $0x1  }
0x15: {  	[smem:$0x3FB6] =	sst s0;
	s0 =	simm.s32 @!p2 $0x0  }
0x16: {  	s3 =	sld [smem:$0x3FDB];
	s0 =	simm.s32 @p2 $0x1  }
0x17: {  	s4 =	simm.s32 $0x1BF5;
	[smem:$0x3FB8] =	sst s0  }
0x18: {  	s0 =	sld [smem:$0x3F9B];
	_ =	swait.ge [sflag:s4], $0x0  }
0x19: {  	s7 =	sld [smem:$0x3F9C]  }
0x1a: {  	s8 =	sadd.s32 $0xFFFFE003, lr  }
0x1b: {  	s9 =	sadd.s32 $0xFFFFFEF7, lr;
	s5 =	simm.s32 $0xFFFFFFFF;
	p2 =	slt.u32 s8, $0xFFFFF086  }
0x1c: {  	p1 =	slt.u32 s9, $0xF7A;
	s5 =	simm.s32 @!p2 $0x0  }
0x1d: {  	s5 =	simm.s32 @p1 $0x1;
	p0 =	seq.s32 s7, s2  }
0x1e: {  	s7 =	smul.u32 @!p0 $0xF7A, s2;
	p2 =	seq.s32 @!p0 s5, $0x0  }
0x1f: {  	s9 =	smul.u32 $0xF7A, s1;
	s8 =	simm.s32 @!p0 $0x1BF5;
	p2 =	por !p2, p0  }
0x20: {  	[sflag:s8] =	ssyncset.s32 @!p0 $0xFFFFF086;
	s6 =	sadd.s32 @!p0 s3, s7;
	s7 =	simm.s32 @!p0 $0x108  }
0x21: {  	s3 =	sadd.s32 s3, s9;
	s6 =	sadd.s32 @!p0 $0x88, s6;
	s7 =	simm.s32 @p2 $0x1082  }
0x22: {  	[simem:s7], [sflag:s8] =	dma.local @!p0 [hbm:s6], $0xF7A  }
0x23: {  	s9 =	sor.u32 $0xD0000000, s2;
	s6 =	simm.s32 $0x108;
	_ =	swait.ge @!p0 [sflag:s8], $0x0  }
0x24: {  	s3 =	sadd.s32 $0x88, s3;
	s6 =	simm.s32 @!p1 $0x1082;
	[sflag:s4] =	ssyncset.s32 $0xFFFFF086  }
0x25: {  	[simem:s6], [sflag:s4] =	dma.local [hbm:s3], $0xF7A  }
0x26: {  	[smem:$0x3F9C] =	sst s1;
	(tag) =	ssettag s2;
	_ =	strace s9  }
0x27: {  	s1 =	sld [smem:$0x3FAC]  }
0x28: {  	s2 =	sld [smem:$0x3FAD]  }
0x29: {  	s4 =	sld [smem:$0x3FAF]  }
0x2a: {  	p0 =	seq.s32 s5, $0x0;
	s5 =	sld [smem:$0x3FB0]  }
0x2b: {  	s6 =	sld [smem:$0x3FB1]  }
0x2c: {  	s7 =	sld [smem:$0x3FB2]  }
0x2d: {  	s3 =	simm.s32 $0x108;
	s8 =	sld [smem:$0x3FB3]  }
0x2e: {  	s3 =	simm.s32 @!p0 $0x1082;
	s9 =	sld [smem:$0x3FB4]  }
0x2f: {  	lr =	sadd.s32 s0, s3;
	s0 =	sld [smem:$0x3FAB]  }
0x30: {  	s3 =	sld [smem:$0x3FAE]  }
0x31: {  	[smem:$0x3FB7] =	sst s10  }
0x32: {  	s10 =	sld [smem:$0x3FB5];
	_ =	sdelay $0x3  }
0x33: {  	p0 =	seq.s32 s10, $0x1;
	s10 =	sld [smem:$0x3FB7];
	_ =	sdelay $0x3  }
0x34: {  	[smem:$0x3FB7] =	sst s10  }
0x35: {  	s10 =	sld [smem:$0x3FB6];
	_ =	sdelay $0x3  }
0x36: {  	p1 =	seq.s32 s10, $0x1;
	s10 =	sld [smem:$0x3FB7];
	_ =	sdelay $0x3  }
0x37: {  	[smem:$0x3FB7] =	sst s10  }
0x38: {  	s10 =	sld [smem:$0x3FB8]  }
0x39: {  	_ = 	snop;
	(pc) =	sbr.ind lr, $3  }
0x3a: {  	_ = 	snop  }
0x3b: {  	_ = 	snop  }
0x3c: {  	p2 =	seq.s32 s10, $0x1;
	s10 =	sld [smem:$0x3FB7]  }
0x3d: {  	_ =	shalt  }
0x3e: {  	_ =	shalt  }
0x3f: {  	_ =	shalt  }
0x40: {  	_ =	shalt  }
0x41: {  	_ =	shalt  }
0x42: {  	_ =	shalt  }
0x43: {  	_ =	shalt  }
0x44: {  	_ =	shalt  }
0x45: {  	_ =	shalt  }
0x46: {  	_ =	shalt  }
0x47: {  	_ =	shalt  }
0x48: {  	_ =	shalt  }
0x49: {  	_ =	shalt  }
0x4a: {  	_ =	shalt  }
0x4b: {  	_ =	shalt  }
0x4c: {  	_ =	shalt  }
0x4d: {  	_ =	shalt  }
0x4e: {  	_ =	shalt  }
0x4f: {  	_ =	shalt  }
0x50: {  	_ =	shalt  }
0x51: {  	_ =	shalt  }
0x52: {  	_ =	shalt  }
0x53: {  	_ =	shalt  }
0x54: {  	_ =	shalt  }
0x55: {  	_ =	shalt  }
0x56: {  	_ =	shalt  }
0x57: {  	_ =	shalt  }
0x58: {  	_ =	shalt  }
0x59: {  	_ =	shalt  }
0x5a: {  	_ =	shalt  }
0x5b: {  	_ =	shalt  }
0x5c: {  	_ =	shalt  }
0x5d: {  	_ =	shalt  }
0x5e: {  	_ =	shalt  }
0x5f: {  	_ =	shalt  }
0x60: {  	_ =	shalt  }
0x61: {  	_ =	shalt  }
0x62: {  	_ =	shalt  }
0x63: {  	_ =	shalt  }
0x64: {  	_ =	shalt  }
0x65: {  	_ =	shalt  }
0x66: {  	_ =	shalt  }
0x67: {  	_ =	shalt  }
0x68: {  	_ =	shalt  }
0x69: {  	_ =	shalt  }
0x6a: {  	_ =	shalt  }
0x6b: {  	_ =	shalt  }
0x6c: {  	_ =	shalt  }
0x6d: {  	_ =	shalt  }
0x6e: {  	_ =	shalt  }
0x6f: {  	_ =	shalt  }
0x70: {  	_ =	shalt  }
0x71: {  	_ =	shalt  }
0x72: {  	_ =	shalt  }
0x73: {  	_ =	shalt  }
0x74: {  	_ =	shalt  }
0x75: {  	_ =	shalt  }
0x76: {  	_ =	shalt  }
0x77: {  	_ =	shalt  }
0x78: {  	_ =	shalt  }
0x79: {  	_ =	shalt  }
0x7a: {  	_ =	shalt  }
0x7b: {  	_ =	shalt  }
0x7c: {  	_ =	shalt  }
0x7d: {  	_ =	shalt  }
0x7e: {  	_ =	shalt  }
0x7f: {  	_ =	shalt  }
0x80: {  	_ =	shalt  }
0x81: {  	_ =	shalt  }
0x82: {  	_ =	shalt  }
0x83: {  	_ =	shalt  }
0x84: {  	_ =	shalt  }
0x85: {  	_ =	shalt  }
0x86: {  	_ =	shalt  }
0x87: {  	_ =	shalt  }
.Lfunc_end0:
.L_simem_size_0:
called_computation_lowered:
.L_overlay_start_0:
0x88: {  	s2 =	sld [smem:$0x3FD9]  }
0x89: {  	s3 =	sld [smem:$0x3FFE];
	_ =	sdelay $0x1  }
0x8a: {  	s1 =	srdreg.scid  }
0x8b: {  	s0 =	sand.u32 $0x1, s1  }
0x8c: {  	s17 =	sshll.u32 s0, $0xA;
	s2 =	sadd.s32 s3, s2  }
0x8d: {  	s2 =	sadd.s32 s2, s17  }
0x8e: {  	[smem:$0x3FC3] =	sst s2  }
0x8f: {  	_ = 	snop  }
0x90: {  	s2 =	sld [smem:$0x3FD0];
	(tm) =	ssettm $0x1  }
0x91: {  	s18 =	sld [smem:$0x3FFB];
	_ =	sdelay $0x3  }
0x92: {  	_ =	strace s18  }
0x93: {  	s3 =	sld [smem:$0x3FFC];
	_ =	sdelay $0x3  }
0x94: {  	_ =	strace s3  }
0x95: {  	s3 =	sld [smem:$0x3FFD];
	_ =	sdelay $0x3  }
0x96: {  	_ =	strace s3  }
0x97: {  	_ =	strace $0x8FFFFFFF  }
0x98: {  	s19 =	sld [smem:$0x3FDB];
	_ =	sdelay $0x1  }
0x99: {  	s4 =	simm.s32 $_scs_section_size  }
0x9a: {  	s5 =	simm.s32 $_size__tile_overlayer_lowered;
	s6 =	simm.s32 $_tile_overlayer_lowered  }
0x9b: {  	s22 =	simm.s32 $0x1BFF;
	s21 =	sshll.u32 s6, $0x1;
	s3 =	sadd.s32 s4, s19  }
0x9c: {  	s7 =	simm.s32 $0x0;
	s20 =	sshll.u32 s5, $0x1;
	s5 =	sadd.s32 s21, s3  }
0x9d: {  	[timem:s7], [sflag:s22] =	dma.local [hbm:s5], s20  }
0x9e: {  	_ =	swait.ge [sflag:s22], s20  }
0x9f: {  	s4 =	ssub.s32 $0x0, s20;
	[sflag:s22] =	ssyncset.done $0x0  }
0xa0: {  	[sflag:s22] =	ssyncadd.s32 s4;
	_ =	sdelay $0x1  }
0xa1: {  	s23 =	simm.s32 $0x1B8B  }
0xa2: {  	_ =	swait.ge [sflag:s23], $0x1  }
0xa3: {  	[sflag:s23] =	ssyncset.done $0x0  }
0xa4: {  	s25 =	simm.s32 $0x1B8E;
	s24 =	sld [smem:$0x3FFE];
	[sflag:s23] =	ssyncadd.s32 $0xFFFFFFFF  }
0xa5: {  	s26 =	simm.s32 $execute0_lowered;
	[smem:$0x3FD2] =	sst s25  }
0xa6: {  	s5 =	sshll.u32 s26, $0x1;
	_ =	strace $0x80000046;
	[dreg:$0x1] =	wrdreg $0xFFFFFFFF  }
0xa7: {  	s28 =	simm.s32 $_size_execute0_lowered;
	s3 =	sadd.s32 s3, s5;
	[dreg:$0x0] =	wrdreg $0x0  }
0xa8: {  	s5 =	sshll.u32 s28, $0x1;
	[dreg:$0x2] =	wrdreg s3  }
0xa9: {  	[dreg:$0x3] =	wrdreg s5  }
0xaa: {  	[dreg:$0x4] =	wrdreg $0xC0  }
0xab: {  	_ =	task [dreg:s7], $0x5FFFF  }
0xac: {  	[dreg:$0x1] =	wrdreg $0xFFFFFFFF  }
0xad: {  	[dreg:$0x0] =	wrdreg $0x60  }
0xae: {  	[dreg:$0x2] =	wrdreg s24  }
0xaf: {  	[dreg:$0x3] =	wrdreg s2  }
0xb0: {  	[dreg:$0x4] =	wrdreg $0x9  }
0xb1: {  	_ =	task.clear_ibuf [dreg:s7], $0x5FFFF;
	_ =	strace $0x90000046  }
0xb2: {  	s29 =	simm.s32 $0x9;
	_ =	strace $0x80000048  }
0xb3: {  	_ =	swait.ge [sflag:s29], $0x1  }
0xb4: {  	[sflag:s29] =	ssyncadd.s32 $0xFFFFFFFF  }
0xb5: {  	_ =	strace $0x90000048  }
0xb6: {  	_ =	sfence  }
0xb7: {  	s30 =	sld [smem:$0x0];
	_ =	sdelay $0x2  }
0xb8: {  	s31 =	sshll.u32 s1, $0xD;
	s1 =	sshrl.u32 s1, $0x2  }
0xb9: {  	s3 =	sand.u32 $0x4000, s31;
	s1 =	sadd.s32 s1, s30  }
0xba: {  	s0 =	sor.u32 s3, s0;
	s1 =	sshll.u32 s1, $0x11  }
0xbb: {  	s0 =	sor.u32 s1, s0  }
0xbc: {  	s0 =	sadd.s32 $0x8F2B, s0  }
0xbd: {  	[sflag:s0] =	ssyncadd.remote.s32 $0x1  }
0xbe: {  	_ =	sfence.sel $0xFFFF  }
0xbf: {  	[dreg:$0x0] =	wrdreg $0xFFFFFFFF;
	(pc) =	sbr.abs _section_cstart, $3  }
0xc0: {  	[dreg:$0x1] =	wrdreg $0xFFFFFFFF  }
0xc1: {  	_ =	task.clear_ibuf [dreg:s7], $0x2FFFF;
	_ =	strace $0x9FFFFFFF  }
0xc2: {  	(tm) =	ssettm $0x7FFFFFFF  }
0xc3: {  	_ =	shalt  }
tec
execute0_lowered:
.L_overlay_start_1:
0x0: {  	(tag) =	ssettag $0x1  }
0x1: {  	s0 =	rddreg [dreg:$0x0]  }
0x2: {  	s2 =	rddreg [dreg:$0x1]  }
0x3: {  	s1 =	srdreg.scid;
	s4 =	stileid.u32;
	s3 =	simm.s32 $0x0  }
0x4: {  	s12 =	simm.s32 $0x80;
	s14 =	simm.s32 $0x5;
	s15 =	simm.s32 $0x1900  }
0x5: {  	s16 =	simm.s32 $0x3900;
	s17 =	simm.s32 $0x1;
	s18 =	simm.s32 $0x5900  }
0x6: {  	s19 =	simm.s32 $0x2;
	s20 =	simm.s32 $0x7B00;
	s21 =	simm.s32 $0x3  }
0x7: {  	s22 =	simm.s32 $0x4;
	s23 =	simm.s32 $0x0;
	s1 =	sand.u32 $0x1, s1  }
0x8: {  	s4 =	sshll.u32 s4, $0x1;
	[smem:$0x7FF] =	sst s3;
	s6 =	sadd.s32 $0x190C00, s0  }
.Ltmp0:
0x9: {  	s5 =	sadd.s32 $0xCD600, s0;
	s7 =	sadd.s32 $0x254200, s0;
	(pc) =	sbr.rel .LBB2_1-.Ltmp0, $4  }
0xa: {  	v0 =	vlaneseq.u32;
	s9 =	sor.u32 s1, s4;
	_ =	strace $0x80000047;
	s1 =	ssub.s32 $0x2, s1  }
0xb: {  	v0 =	vmul.u32 $0x88, v0;
	s4 =	sshll.u32 s9, $0x4;
	s10 =	sshrl.u32 s1, $0x1;
	s9 =	sshll.u32 s9, $0x7  }
0xc: {  	v1 =	vimm.f32 $0.0e+00;
	s8 =	sadd.s32 s4, s0;
	s4 =	sadd.s32 $0xA000, s0;
	s31 =	ssub.s32 s1, s10  }
0xd: {  	v2 =	vadd.s32 $0x880, v0;
	v3 =	vadd.s32 $0x1100, v0;
	v4 =	vadd.s32 $0x1980, v0;
	s10 =	sadd.s32 $0x8000, s2;
	s8 =	sadd.s32 $0x3C00, s8;
	s11 =	smax.u32 s31, $0x1  }
.LBB2_16:
0xe: {  	s23 =	sadd.s32 $0x1, s23  }
0xf: {  	_ =	swait.ge [sflag:s21], $0x2000;
	p0 =	sne.s32 s23, s11  }
.Ltmp1:
0x10: {  	[sflag:s21] =	ssyncset.done $0x0;
	(pc) =	sbr.rel @!p0 .LBB2_17-.Ltmp1, $4  }
0x11: {  	[sflag:s21] =	ssyncadd.s32 $0xFFFFE000  }
0x12: {  	_ =	swait.ge [sflag:s22], $0x2000  }
0x13: {  	[sflag:s22] =	ssyncset.done $0x0  }
0x14: {  	[sflag:s22] =	ssyncadd.s32 $0xFFFFE000  }
.LBB2_1:
0x15: {  	s0 =	simm.s32 $0x1000  }
0x16: {  	[tilespmem:s3], [sflag:$0x5] =	stream.strided.gather [hbm4b:s8+s12], $0x1900, s0, s12, $0x38;
	[tilespmem:$0x9D00] =	vst v63  }
0x17: {  	_ =	swait.ge [sflag:s14], $0x1900  }
0x18: {  	[sflag:s14] =	ssyncset.done $0x0  }
0x19: {  	s24 =	simm.s32 $0x1A00;
	[sflag:s14] =	ssyncadd.s32 $0xFFFFE700  }
0x1a: {  	[tilespmem:s24+$0xFFFFFF00] =	vst v1  }
0x1b: {  	[tilespmem:s24+$0xF0] =	vst v1  }
0x1c: {  	[tilespmem:s24+$0xE0] =	vst v1  }
0x1d: {  	[tilespmem:s24+$0xD0] =	vst v1  }
0x1e: {  	[tilespmem:s24+$0xC0] =	vst v1  }
0x1f: {  	[tilespmem:s24+$0xB0] =	vst v1  }
0x20: {  	[tilespmem:s24+$0xA0] =	vst v1  }
0x21: {  	[tilespmem:s24+$0x90] =	vst v1  }
0x22: {  	[tilespmem:s24+$0x80] =	vst v1  }
0x23: {  	[tilespmem:s24+$0x70] =	vst v1  }
0x24: {  	[tilespmem:s24+$0x60] =	vst v1  }
0x25: {  	[tilespmem:s24+$0x50] =	vst v1  }
0x26: {  	[tilespmem:s24+$0x40] =	vst v1  }
0x27: {  	[tilespmem:s24+$0x30] =	vst v1  }
0x28: {  	[tilespmem:s24+$0x20] =	vst v1  }
0x29: {  	[tilespmem:s24+$0x10] =	vst v1  }
0x2a: {  	[tilespmem:s24+$0x0] =	vst v1  }
0x2b: {  	[tilespmem:s24+$0xFFFFFFF0] =	vst v1  }
0x2c: {  	[tilespmem:s24+$0xFFFFFFE0] =	vst v1  }
0x2d: {  	[tilespmem:s24+$0xFFFFFFD0] =	vst v1  }
0x2e: {  	[tilespmem:s24+$0xFFFFFFC0] =	vst v1  }
0x2f: {  	[tilespmem:s24+$0xFFFFFFB0] =	vst v1  }
0x30: {  	[tilespmem:s24+$0xFFFFFFA0] =	vst v1  }
0x31: {  	[tilespmem:s24+$0xFFFFFF90] =	vst v1  }
0x32: {  	[tilespmem:s24+$0xFFFFFF80] =	vst v1  }
0x33: {  	[tilespmem:s24+$0xFFFFFF70] =	vst v1  }
0x34: {  	[tilespmem:s24+$0xFFFFFF60] =	vst v1  }
0x35: {  	[tilespmem:s24+$0xFFFFFF50] =	vst v1  }
0x36: {  	[tilespmem:s24+$0xFFFFFF40] =	vst v1  }
0x37: {  	[tilespmem:s24+$0xFFFFFF30] =	vst v1  }
0x38: {  	s25 =	simm.s32 $0x0;
	[tilespmem:s24+$0xFFFFFF20] =	vst v1  }
.LBB2_2:
0x39: {  	s25 =	sadd.s32 $0x8, s25;
	[tilespmem:s24+$0xFFFFFF10] =	vst v1;
	s24 =	sadd.s32 $0x200, s24  }
0x3a: {  	[tilespmem:s24+$0xFFFFFF00] =	vst v1;
	p0 =	slt.u32 s25, $0x78  }
0x3b: {  	[tilespmem:s24+$0xF0] =	vst v1  }
0x3c: {  	[tilespmem:s24+$0xE0] =	vst v1  }
0x3d: {  	[tilespmem:s24+$0xD0] =	vst v1  }
0x3e: {  	[tilespmem:s24+$0xC0] =	vst v1  }
0x3f: {  	[tilespmem:s24+$0xB0] =	vst v1  }
0x40: {  	[tilespmem:s24+$0xA0] =	vst v1  }
0x41: {  	[tilespmem:s24+$0x90] =	vst v1  }
0x42: {  	[tilespmem:s24+$0x80] =	vst v1  }
0x43: {  	[tilespmem:s24+$0x70] =	vst v1  }
0x44: {  	[tilespmem:s24+$0x60] =	vst v1  }
0x45: {  	[tilespmem:s24+$0x50] =	vst v1  }
0x46: {  	[tilespmem:s24+$0x40] =	vst v1  }
0x47: {  	[tilespmem:s24+$0x30] =	vst v1  }
0x48: {  	[tilespmem:s24+$0x20] =	vst v1  }
0x49: {  	[tilespmem:s24+$0x10] =	vst v1  }
0x4a: {  	[tilespmem:s24+$0x0] =	vst v1  }
0x4b: {  	[tilespmem:s24+$0xFFFFFFF0] =	vst v1  }
0x4c: {  	[tilespmem:s24+$0xFFFFFFE0] =	vst v1  }
0x4d: {  	[tilespmem:s24+$0xFFFFFFD0] =	vst v1  }
0x4e: {  	[tilespmem:s24+$0xFFFFFFC0] =	vst v1  }
0x4f: {  	[tilespmem:s24+$0xFFFFFFB0] =	vst v1  }
0x50: {  	[tilespmem:s24+$0xFFFFFFA0] =	vst v1  }
0x51: {  	[tilespmem:s24+$0xFFFFFF90] =	vst v1  }
0x52: {  	[tilespmem:s24+$0xFFFFFF80] =	vst v1  }
0x53: {  	[tilespmem:s24+$0xFFFFFF70] =	vst v1  }
.Ltmp2:
0x54: {  	[tilespmem:s24+$0xFFFFFF60] =	vst v1;
	(pc) =	sbr.rel @p0 .LBB2_2-.Ltmp2, $4  }
0x55: {  	[tilespmem:s24+$0xFFFFFF50] =	vst v1  }
0x56: {  	[tilespmem:s24+$0xFFFFFF40] =	vst v1  }
0x57: {  	[tilespmem:s24+$0xFFFFFF30] =	vst v1  }
0x58: {  	[tilespmem:s24+$0xFFFFFF20] =	vst v1  }
0x59: {  	[tilespmem:s24+$0xFFFFFF10] =	vst v1  }
0x5a: {  	[tilespmem:s15], [sflag:$0x1] =	stream.indirect.gather.add.f32 [hbm:s4], $0x40, s3, s12, $0xb8;
	[tilespmem:$0x9D00] =	vst v63  }
0x5b: {  	_ = 	snop  }
0x5c: {  	[tilespmem:s15], [sflag:$0x1] =	stream.indirect.gather.add.f32 [hbm:s5], $0x40, s3, s12, $0xb8;
	[tilespmem:$0x9D00] =	vst v63  }
0x5d: {  	_ = 	snop  }
0x5e: {  	[tilespmem:s15], [sflag:$0x1] =	stream.indirect.gather.add.f32 [hbm:s6], $0x40, s3, s12, $0xb8;
	[tilespmem:$0x9D00] =	vst v63  }
0x5f: {  	s24 =	simm.s32 $0x3A00  }
0x60: {  	[tilespmem:s15], [sflag:$0x1] =	stream.indirect.gather.add.f32 [hbm:s7], $0x40, s3, s12, $0xb8;
	[tilespmem:$0x9D00] =	vst v63  }
0x61: {  	[tilespmem:s24+$0xFFFFFF00] =	vst v1  }
0x62: {  	[tilespmem:s24+$0xF0] =	vst v1  }
0x63: {  	[tilespmem:s24+$0xE0] =	vst v1  }
0x64: {  	[tilespmem:s24+$0xD0] =	vst v1  }
0x65: {  	[tilespmem:s24+$0xC0] =	vst v1  }
0x66: {  	[tilespmem:s24+$0xB0] =	vst v1  }
0x67: {  	[tilespmem:s24+$0xA0] =	vst v1  }
0x68: {  	[tilespmem:s24+$0x90] =	vst v1  }
0x69: {  	[tilespmem:s24+$0x80] =	vst v1  }
0x6a: {  	[tilespmem:s24+$0x70] =	vst v1  }
0x6b: {  	[tilespmem:s24+$0x60] =	vst v1  }
0x6c: {  	[tilespmem:s24+$0x50] =	vst v1  }
0x6d: {  	[tilespmem:s24+$0x40] =	vst v1  }
0x6e: {  	[tilespmem:s24+$0x30] =	vst v1  }
0x6f: {  	[tilespmem:s24+$0x20] =	vst v1  }
0x70: {  	[tilespmem:s24+$0x10] =	vst v1  }
0x71: {  	[tilespmem:s24+$0x0] =	vst v1  }
0x72: {  	[tilespmem:s24+$0xFFFFFFF0] =	vst v1  }
0x73: {  	[tilespmem:s24+$0xFFFFFFE0] =	vst v1  }
0x74: {  	[tilespmem:s24+$0xFFFFFFD0] =	vst v1  }
0x75: {  	[tilespmem:s24+$0xFFFFFFC0] =	vst v1  }
0x76: {  	[tilespmem:s24+$0xFFFFFFB0] =	vst v1  }
0x77: {  	[tilespmem:s24+$0xFFFFFFA0] =	vst v1  }
0x78: {  	[tilespmem:s24+$0xFFFFFF90] =	vst v1  }
0x79: {  	[tilespmem:s24+$0xFFFFFF80] =	vst v1  }
0x7a: {  	[tilespmem:s24+$0xFFFFFF70] =	vst v1  }
0x7b: {  	[tilespmem:s24+$0xFFFFFF60] =	vst v1  }
0x7c: {  	[tilespmem:s24+$0xFFFFFF50] =	vst v1  }
0x7d: {  	[tilespmem:s24+$0xFFFFFF40] =	vst v1  }
0x7e: {  	[tilespmem:s24+$0xFFFFFF30] =	vst v1  }
0x7f: {  	s25 =	simm.s32 $0x0;
	[tilespmem:s24+$0xFFFFFF20] =	vst v1  }
.LBB2_4:
0x80: {  	s25 =	sadd.s32 $0x8, s25;
	[tilespmem:s24+$0xFFFFFF10] =	vst v1;
	s24 =	sadd.s32 $0x200, s24  }
0x81: {  	[tilespmem:s24+$0xFFFFFF00] =	vst v1;
	p0 =	slt.u32 s25, $0x78  }
0x82: {  	[tilespmem:s24+$0xF0] =	vst v1  }
0x83: {  	[tilespmem:s24+$0xE0] =	vst v1  }
0x84: {  	[tilespmem:s24+$0xD0] =	vst v1  }
0x85: {  	[tilespmem:s24+$0xC0] =	vst v1  }
0x86: {  	[tilespmem:s24+$0xB0] =	vst v1  }
0x87: {  	[tilespmem:s24+$0xA0] =	vst v1  }
0x88: {  	[tilespmem:s24+$0x90] =	vst v1  }
0x89: {  	[tilespmem:s24+$0x80] =	vst v1  }
0x8a: {  	[tilespmem:s24+$0x70] =	vst v1  }
0x8b: {  	[tilespmem:s24+$0x60] =	vst v1  }
0x8c: {  	[tilespmem:s24+$0x50] =	vst v1  }
0x8d: {  	[tilespmem:s24+$0x40] =	vst v1  }
0x8e: {  	[tilespmem:s24+$0x30] =	vst v1  }
0x8f: {  	[tilespmem:s24+$0x20] =	vst v1  }
0x90: {  	[tilespmem:s24+$0x10] =	vst v1  }
0x91: {  	[tilespmem:s24+$0x0] =	vst v1  }
0x92: {  	[tilespmem:s24+$0xFFFFFFF0] =	vst v1  }
0x93: {  	[tilespmem:s24+$0xFFFFFFE0] =	vst v1  }
0x94: {  	[tilespmem:s24+$0xFFFFFFD0] =	vst v1  }
0x95: {  	[tilespmem:s24+$0xFFFFFFC0] =	vst v1  }
0x96: {  	[tilespmem:s24+$0xFFFFFFB0] =	vst v1  }
0x97: {  	[tilespmem:s24+$0xFFFFFFA0] =	vst v1  }
0x98: {  	[tilespmem:s24+$0xFFFFFF90] =	vst v1  }
0x99: {  	[tilespmem:s24+$0xFFFFFF80] =	vst v1  }
0x9a: {  	[tilespmem:s24+$0xFFFFFF70] =	vst v1  }
.Ltmp3:
0x9b: {  	[tilespmem:s24+$0xFFFFFF60] =	vst v1;
	(pc) =	sbr.rel @p0 .LBB2_4-.Ltmp3, $4  }
0x9c: {  	[tilespmem:s24+$0xFFFFFF50] =	vst v1  }
0x9d: {  	[tilespmem:s24+$0xFFFFFF40] =	vst v1  }
0x9e: {  	[tilespmem:s24+$0xFFFFFF30] =	vst v1  }
0x9f: {  	[tilespmem:s24+$0xFFFFFF20] =	vst v1  }
0xa0: {  	[tilespmem:s24+$0xFFFFFF10] =	vst v1  }
0xa1: {  	[tilespmem:s16], [sflag:$0x2] =	stream.indirect.gather.add.f32 [hbm:s4], $0x40, s12, s12, $0xb8;
	[tilespmem:$0x9D00] =	vst v63  }
0xa2: {  	_ = 	snop  }
0xa3: {  	[tilespmem:s16], [sflag:$0x2] =	stream.indirect.gather.add.f32 [hbm:s5], $0x40, s12, s12, $0xb8;
	[tilespmem:$0x9D00] =	vst v63  }
0xa4: {  	_ = 	snop  }
0xa5: {  	[tilespmem:s16], [sflag:$0x2] =	stream.indirect.gather.add.f32 [hbm:s6], $0x40, s12, s12, $0xb8;
	[tilespmem:$0x9D00] =	vst v63  }
0xa6: {  	s24 =	simm.s32 $0x0;
	s25 =	simm.s32 $0x0  }
0xa7: {  	[tilespmem:s16], [sflag:$0x2] =	stream.indirect.gather.add.f32 [hbm:s7], $0x40, s12, s12, $0xb8;
	[tilespmem:$0x9D00] =	vst v63  }
.LBB2_6:
0xa8: {  	_ =	swait.ge [sflag:s17], $0x2000  }
0xa9: {  	[sflag:s17] =	ssyncset.done $0x0  }
0xaa: {  	[sflag:s17] =	ssyncadd.s32 $0xFFFFE000  }
0xab: {  	_ =	swait.ge [sflag:s17], $0x2000  }
0xac: {  	[sflag:s17] =	ssyncset.done $0x0  }
0xad: {  	[sflag:s17] =	ssyncadd.s32 $0xFFFFE000  }
0xae: {  	_ =	swait.ge [sflag:s17], $0x2000  }
0xaf: {  	[sflag:s17] =	ssyncset.done $0x0  }
0xb0: {  	[sflag:s17] =	ssyncadd.s32 $0xFFFFE000  }
0xb1: {  	_ =	swait.ge [sflag:s17], $0x2000  }
0xb2: {  	p0 =	seq.s32 s25, $0x0;
	[sflag:s17] =	ssyncset.done $0x0  }
0xb3: {  	s0 =	simm.s32 @!p0 $0x3;
	[sflag:s17] =	ssyncadd.s32 $0xFFFFE000  }
0xb4: {  	_ =	swait.ge @!p0 [sflag:s0], $0x2000  }
0xb5: {  	[sflag:s0] =	ssyncset.done @!p0 $0x0  }
0xb6: {  	s28 =	simm.s32 $0x1980;
	[sflag:s0] =	ssyncadd.s32 @!p0 $0xFFFFE000  }
0xb7: {  	v5 =	vmov s24;
	v6 =	vld [tilespmem:s28+$0xFFFFFF80]  }
0xb8: {  	v5 =	vand.u32 $0x7C, v5  }
0xb9: {  	v7 =	vadd.s32 v0, v5;
	_ =	sdelay $0x2  }
0xba: {  	v6 =	vmul.f32 $2.500000000e-01, v6  }
0xbb: {  	[tilespmem:s28+$0xFFFFFF80] =	vst v1  }
0xbc: {  	[tilespmem:v7+s18+$0x0] =	vst.idx.msk $0xffff, v6  }
0xbd: {  	v6 =	vld [tilespmem:s28+$0xFFFFFF90];
	_ =	sdelay $0x1  }
0xbe: {  	v7 =	vadd.s32 v2, v5;
	_ =	sdelay $0x2  }
0xbf: {  	v6 =	vmul.f32 $2.500000000e-01, v6  }
0xc0: {  	[tilespmem:s28+$0xFFFFFF90] =	vst v1  }
0xc1: {  	[tilespmem:v7+s18+$0x0] =	vst.idx.msk $0xffff, v6  }
0xc2: {  	v6 =	vld [tilespmem:s28+$0xFFFFFFA0];
	_ =	sdelay $0x1  }
0xc3: {  	v7 =	vadd.s32 v3, v5;
	_ =	sdelay $0x2  }
0xc4: {  	v6 =	vmul.f32 $2.500000000e-01, v6  }
0xc5: {  	[tilespmem:s28+$0xFFFFFFA0] =	vst v1  }
0xc6: {  	[tilespmem:v7+s18+$0x0] =	vst.idx.msk $0xffff, v6  }
0xc7: {  	v6 =	vld [tilespmem:s28+$0xFFFFFFB0];
	_ =	sdelay $0x1  }
0xc8: {  	v5 =	vadd.s32 v4, v5;
	_ =	sdelay $0x2  }
0xc9: {  	v6 =	vmul.f32 $2.500000000e-01, v6  }
0xca: {  	[tilespmem:s28+$0xFFFFFFB0] =	vst v1  }
0xcb: {  	s26 =	simm.s32 $0x1;
	[tilespmem:v5+s18+$0x0] =	vst.idx.msk $0xffff, v6  }
0xcc: {  	v5 =	vmov s26;
	v6 =	vld [tilespmem:s28+$0xFFFFFFC0]  }
0xcd: {  	v5 =	vand.u32 $0x7D, v5  }
0xce: {  	v7 =	vadd.s32 v0, v5;
	_ =	sdelay $0x2  }
0xcf: {  	v6 =	vmul.f32 $2.500000000e-01, v6  }
0xd0: {  	[tilespmem:s28+$0xFFFFFFC0] =	vst v1  }
0xd1: {  	[tilespmem:v7+s18+$0x0] =	vst.idx.msk $0xffff, v6  }
0xd2: {  	v6 =	vld [tilespmem:s28+$0xFFFFFFD0];
	_ =	sdelay $0x1  }
0xd3: {  	v7 =	vadd.s32 v2, v5;
	_ =	sdelay $0x2  }
0xd4: {  	v6 =	vmul.f32 $2.500000000e-01, v6  }
0xd5: {  	[tilespmem:s28+$0xFFFFFFD0] =	vst v1  }
0xd6: {  	[tilespmem:v7+s18+$0x0] =	vst.idx.msk $0xffff, v6  }
0xd7: {  	v6 =	vld [tilespmem:s28+$0xFFFFFFE0];
	_ =	sdelay $0x1  }
0xd8: {  	v7 =	vadd.s32 v3, v5;
	_ =	sdelay $0x2  }
0xd9: {  	v6 =	vmul.f32 $2.500000000e-01, v6  }
0xda: {  	[tilespmem:s28+$0xFFFFFFE0] =	vst v1  }
0xdb: {  	[tilespmem:v7+s18+$0x0] =	vst.idx.msk $0xffff, v6  }
0xdc: {  	v6 =	vld [tilespmem:s28+$0xFFFFFFF0];
	_ =	sdelay $0x1  }
0xdd: {  	v5 =	vadd.s32 v4, v5;
	_ =	sdelay $0x2  }
0xde: {  	v6 =	vmul.f32 $2.500000000e-01, v6  }
0xdf: {  	[tilespmem:s28+$0xFFFFFFF0] =	vst v1  }
0xe0: {  	s30 =	simm.s32 $0x2;
	[tilespmem:v5+s18+$0x0] =	vst.idx.msk $0xffff, v6  }
0xe1: {  	v5 =	vmov s30;
	v6 =	vld [tilespmem:s28+$0x0]  }
0xe2: {  	v5 =	vand.u32 $0x7E, v5  }
0xe3: {  	v7 =	vadd.s32 v0, v5;
	_ =	sdelay $0x2  }
0xe4: {  	v6 =	vmul.f32 $2.500000000e-01, v6  }
0xe5: {  	[tilespmem:s28+$0x0] =	vst v1  }
0xe6: {  	[tilespmem:v7+s18+$0x0] =	vst.idx.msk $0xffff, v6  }
0xe7: {  	v6 =	vld [tilespmem:s28+$0x10];
	_ =	sdelay $0x1  }
0xe8: {  	v7 =	vadd.s32 v2, v5;
	_ =	sdelay $0x2  }
0xe9: {  	v6 =	vmul.f32 $2.500000000e-01, v6  }
0xea: {  	[tilespmem:s28+$0x10] =	vst v1  }
0xeb: {  	[tilespmem:v7+s18+$0x0] =	vst.idx.msk $0xffff, v6  }
0xec: {  	v6 =	vld [tilespmem:s28+$0x20];
	_ =	sdelay $0x1  }
0xed: {  	v7 =	vadd.s32 v3, v5;
	_ =	sdelay $0x2  }
0xee: {  	v6 =	vmul.f32 $2.500000000e-01, v6  }
0xef: {  	[tilespmem:s28+$0x20] =	vst v1  }
0xf0: {  	[tilespmem:v7+s18+$0x0] =	vst.idx.msk $0xffff, v6  }
0xf1: {  	v6 =	vld [tilespmem:s28+$0x30];
	_ =	sdelay $0x1  }
0xf2: {  	v5 =	vadd.s32 v4, v5;
	_ =	sdelay $0x2  }
0xf3: {  	v6 =	vmul.f32 $2.500000000e-01, v6  }
0xf4: {  	[tilespmem:s28+$0x30] =	vst v1  }
0xf5: {  	s31 =	simm.s32 $0x3;
	[tilespmem:v5+s18+$0x0] =	vst.idx.msk $0xffff, v6  }
0xf6: {  	v5 =	vmov s31;
	v6 =	vld [tilespmem:s28+$0x40]  }
0xf7: {  	v5 =	vand.u32 $0x7F, v5  }
0xf8: {  	v7 =	vadd.s32 v0, v5;
	_ =	sdelay $0x2  }
0xf9: {  	v6 =	vmul.f32 $2.500000000e-01, v6  }
0xfa: {  	[tilespmem:s28+$0x40] =	vst v1  }
0xfb: {  	[tilespmem:v7+s18+$0x0] =	vst.idx.msk $0xffff, v6  }
0xfc: {  	v6 =	vld [tilespmem:s28+$0x50];
	_ =	sdelay $0x1  }
0xfd: {  	v7 =	vadd.s32 v2, v5;
	_ =	sdelay $0x2  }
0xfe: {  	v6 =	vmul.f32 $2.500000000e-01, v6  }
0xff: {  	[tilespmem:s28+$0x50] =	vst v1  }
0x100: {  	[tilespmem:v7+s18+$0x0] =	vst.idx.msk $0xffff, v6  }
0x101: {  	v6 =	vld [tilespmem:s28+$0x60];
	_ =	sdelay $0x1  }
0x102: {  	v7 =	vadd.s32 v3, v5;
	_ =	sdelay $0x2  }
0x103: {  	v6 =	vmul.f32 $2.500000000e-01, v6  }
0x104: {  	[tilespmem:s28+$0x60] =	vst v1  }
0x105: {  	[tilespmem:v7+s18+$0x0] =	vst.idx.msk $0xffff, v6  }
0x106: {  	v6 =	vld [tilespmem:s28+$0x70];
	_ =	sdelay $0x1  }
0x107: {  	v5 =	vadd.s32 v4, v5;
	_ =	sdelay $0x2  }
0x108: {  	s29 =	simm.s32 $0x4;
	s26 =	sshll.u32 s25, $0xA;
	[tilespmem:s28+$0x70] =	vst v1;
	v6 =	vmul.f32 $2.500000000e-01, v6  }
.LBB2_7:
0x109: {  	p1 =	slt.u32 s29, $0x7C  }
0x10a: {  	s28 =	sadd.s32 $0x100, s28;
	s30 =	smov.u32 s29;
	s29 =	sadd.s32 $0x4, s29;
	[tilespmem:v5+s18+$0x0] =	vst.idx.msk $0xffff, v6  }
0x10b: {  	v5 =	vmov s30;
	v6 =	vld [tilespmem:s28+$0xFFFFFF80]  }
0x10c: {  	v5 =	vand.u32 $0x7C, v5  }
0x10d: {  	v7 =	vadd.s32 v0, v5;
	_ =	sdelay $0x2  }
0x10e: {  	v6 =	vmul.f32 $2.500000000e-01, v6  }
0x10f: {  	[tilespmem:s28+$0xFFFFFF80] =	vst v1  }
0x110: {  	[tilespmem:v7+s18+$0x0] =	vst.idx.msk $0xffff, v6  }
0x111: {  	v6 =	vld [tilespmem:s28+$0xFFFFFF90];
	_ =	sdelay $0x1  }
0x112: {  	v7 =	vadd.s32 v2, v5;
	_ =	sdelay $0x2  }
0x113: {  	v6 =	vmul.f32 $2.500000000e-01, v6  }
0x114: {  	[tilespmem:s28+$0xFFFFFF90] =	vst v1  }
0x115: {  	[tilespmem:v7+s18+$0x0] =	vst.idx.msk $0xffff, v6  }
0x116: {  	v6 =	vld [tilespmem:s28+$0xFFFFFFA0];
	_ =	sdelay $0x1  }
0x117: {  	v7 =	vadd.s32 v3, v5;
	_ =	sdelay $0x2  }
0x118: {  	v6 =	vmul.f32 $2.500000000e-01, v6  }
0x119: {  	[tilespmem:s28+$0xFFFFFFA0] =	vst v1  }
0x11a: {  	[tilespmem:v7+s18+$0x0] =	vst.idx.msk $0xffff, v6  }
0x11b: {  	v6 =	vld [tilespmem:s28+$0xFFFFFFB0];
	_ =	sdelay $0x1  }
0x11c: {  	v5 =	vadd.s32 v4, v5;
	_ =	sdelay $0x2  }
0x11d: {  	v6 =	vmul.f32 $2.500000000e-01, v6  }
0x11e: {  	[tilespmem:s28+$0xFFFFFFB0] =	vst v1  }
0x11f: {  	s0 =	sadd.s32 $0x1, s30;
	[tilespmem:v5+s18+$0x0] =	vst.idx.msk $0xffff, v6  }
0x120: {  	v5 =	vmov s0;
	v6 =	vld [tilespmem:s28+$0xFFFFFFC0]  }
0x121: {  	v5 =	vand.u32 $0x7D, v5  }
0x122: {  	v7 =	vadd.s32 v0, v5;
	_ =	sdelay $0x2  }
0x123: {  	v6 =	vmul.f32 $2.500000000e-01, v6  }
0x124: {  	[tilespmem:s28+$0xFFFFFFC0] =	vst v1  }
0x125: {  	[tilespmem:v7+s18+$0x0] =	vst.idx.msk $0xffff, v6  }
0x126: {  	v6 =	vld [tilespmem:s28+$0xFFFFFFD0];
	_ =	sdelay $0x1  }
0x127: {  	v7 =	vadd.s32 v2, v5;
	_ =	sdelay $0x2  }
0x128: {  	v6 =	vmul.f32 $2.500000000e-01, v6  }
0x129: {  	[tilespmem:s28+$0xFFFFFFD0] =	vst v1  }
0x12a: {  	[tilespmem:v7+s18+$0x0] =	vst.idx.msk $0xffff, v6  }
0x12b: {  	v6 =	vld [tilespmem:s28+$0xFFFFFFE0];
	_ =	sdelay $0x1  }
0x12c: {  	v7 =	vadd.s32 v3, v5;
	_ =	sdelay $0x2  }
0x12d: {  	v6 =	vmul.f32 $2.500000000e-01, v6  }
0x12e: {  	[tilespmem:s28+$0xFFFFFFE0] =	vst v1  }
0x12f: {  	[tilespmem:v7+s18+$0x0] =	vst.idx.msk $0xffff, v6  }
0x130: {  	v6 =	vld [tilespmem:s28+$0xFFFFFFF0];
	_ =	sdelay $0x1  }
0x131: {  	v5 =	vadd.s32 v4, v5;
	_ =	sdelay $0x2  }
0x132: {  	v6 =	vmul.f32 $2.500000000e-01, v6  }
0x133: {  	[tilespmem:s28+$0xFFFFFFF0] =	vst v1  }
0x134: {  	s0 =	sadd.s32 $0x2, s30;
	[tilespmem:v5+s18+$0x0] =	vst.idx.msk $0xffff, v6  }
0x135: {  	v5 =	vmov s0;
	v6 =	vld [tilespmem:s28+$0x0]  }
0x136: {  	v5 =	vand.u32 $0x7E, v5;
	[tilespmem:s28+$0x0] =	vst v1  }
0x137: {  	v7 =	vadd.s32 v0, v5;
	_ =	sdelay $0x2  }
0x138: {  	v6 =	vmul.f32 $2.500000000e-01, v6;
	_ =	sdelay $0x1  }
0x139: {  	[tilespmem:v7+s18+$0x0] =	vst.idx.msk $0xffff, v6  }
0x13a: {  	v6 =	vld [tilespmem:s28+$0x10]  }
0x13b: {  	[tilespmem:s28+$0x10] =	vst v1  }
0x13c: {  	v7 =	vadd.s32 v2, v5;
	_ =	sdelay $0x2  }
0x13d: {  	v6 =	vmul.f32 $2.500000000e-01, v6;
	_ =	sdelay $0x1  }
0x13e: {  	[tilespmem:v7+s18+$0x0] =	vst.idx.msk $0xffff, v6  }
0x13f: {  	v6 =	vld [tilespmem:s28+$0x20]  }
0x140: {  	[tilespmem:s28+$0x20] =	vst v1  }
0x141: {  	v7 =	vadd.s32 v3, v5;
	_ =	sdelay $0x2  }
0x142: {  	v6 =	vmul.f32 $2.500000000e-01, v6;
	_ =	sdelay $0x1  }
0x143: {  	[tilespmem:v7+s18+$0x0] =	vst.idx.msk $0xffff, v6  }
0x144: {  	v6 =	vld [tilespmem:s28+$0x30]  }
0x145: {  	[tilespmem:s28+$0x30] =	vst v1  }
0x146: {  	v5 =	vadd.s32 v4, v5;
	_ =	sdelay $0x2  }
0x147: {  	v6 =	vmul.f32 $2.500000000e-01, v6;
	_ =	sdelay $0x1  }
0x148: {  	s0 =	sadd.s32 $0x3, s30;
	[tilespmem:v5+s18+$0x0] =	vst.idx.msk $0xffff, v6  }
0x149: {  	v5 =	vmov s0;
	v6 =	vld [tilespmem:s28+$0x40]  }
0x14a: {  	v5 =	vand.u32 $0x7F, v5;
	[tilespmem:s28+$0x40] =	vst v1  }
0x14b: {  	v7 =	vadd.s32 v0, v5;
	_ =	sdelay $0x2  }
0x14c: {  	v6 =	vmul.f32 $2.500000000e-01, v6;
	_ =	sdelay $0x1  }
0x14d: {  	[tilespmem:v7+s18+$0x0] =	vst.idx.msk $0xffff, v6  }
0x14e: {  	v6 =	vld [tilespmem:s28+$0x50]  }
0x14f: {  	[tilespmem:s28+$0x50] =	vst v1  }
0x150: {  	v7 =	vadd.s32 v2, v5;
	_ =	sdelay $0x2  }
0x151: {  	v6 =	vmul.f32 $2.500000000e-01, v6;
	_ =	sdelay $0x1  }
0x152: {  	[tilespmem:v7+s18+$0x0] =	vst.idx.msk $0xffff, v6  }
0x153: {  	v6 =	vld [tilespmem:s28+$0x60]  }
0x154: {  	[tilespmem:s28+$0x60] =	vst v1  }
0x155: {  	v7 =	vadd.s32 v3, v5;
	_ =	sdelay $0x2  }
0x156: {  	v6 =	vmul.f32 $2.500000000e-01, v6;
	_ =	sdelay $0x1  }
0x157: {  	[tilespmem:v7+s18+$0x0] =	vst.idx.msk $0xffff, v6  }
0x158: {  	v6 =	vld [tilespmem:s28+$0x70]  }
.Ltmp4:
0x159: {  	[tilespmem:s28+$0x70] =	vst v1;
	(pc) =	sbr.rel @p1 .LBB2_7-.Ltmp4, $2  }
0x15a: {  	v5 =	vadd.s32 v4, v5;
	_ =	sdelay $0x2  }
0x15b: {  	v6 =	vmul.f32 $2.500000000e-01, v6  }
0x15c: {  	_ =	sdelay $0x1  }
0x15d: {  	s0 =	sshll.u32 s25, $0x10  }
0x15e: {  	s28 =	sor.u32 s9, s0  }
0x15f: {  	s1 =	simm.s32 $0x5900;
	[tilespmem:v5+s18+$0x0] =	vst.idx.msk $0xffff, v6;
	s30 =	sadd.s32 s2, s28  }
0x160: {  	[hbm4b:s30+s3] =	stream.linear.scatter [tilespmem:s1], [sflag:$0x3], $0x80, $0x38;
	[tilespmem:$0x9D00] =	vst v63  }
0x161: {  	s13 =	simm.s32 $0x5988;
	s1 =	sadd.s32 $0x10, s30  }
0x162: {  	[hbm4b:s1+s3] =	stream.linear.scatter [tilespmem:s13], [sflag:$0x3], $0x80, $0x38;
	[tilespmem:$0x9D00] =	vst v63  }
0x163: {  	s1 =	simm.s32 $0x5A10;
	s13 =	sadd.s32 $0x20, s30  }
0x164: {  	[hbm4b:s13+s3] =	stream.linear.scatter [tilespmem:s1], [sflag:$0x3], $0x80, $0x38;
	[tilespmem:$0x9D00] =	vst v63  }
0x165: {  	s1 =	simm.s32 $0x5A98;
	s13 =	sadd.s32 $0x30, s30  }
0x166: {  	[hbm4b:s13+s3] =	stream.linear.scatter [tilespmem:s1], [sflag:$0x3], $0x80, $0x38;
	[tilespmem:$0x9D00] =	vst v63  }
0x167: {  	s1 =	simm.s32 $0x5B20;
	s13 =	sadd.s32 $0x40, s30  }
0x168: {  	[hbm4b:s13+s3] =	stream.linear.scatter [tilespmem:s1], [sflag:$0x3], $0x80, $0x38;
	[tilespmem:$0x9D00] =	vst v63  }
0x169: {  	s29 =	simm.s32 $0x440;
	s1 =	simm.s32 $0x5BA8;
	s13 =	sadd.s32 $0x50, s30  }
0x16a: {  	[hbm4b:s13+s3] =	stream.linear.scatter [tilespmem:s1], [sflag:$0x3], $0x80, $0x38;
	[tilespmem:$0x9D00] =	vst v63  }
0x16b: {  	s31 =	simm.s32 $0x2200;
	s1 =	simm.s32 $0x5C30;
	s13 =	sadd.s32 $0x60, s30  }
0x16c: {  	[hbm4b:s13+s3] =	stream.linear.scatter [tilespmem:s1], [sflag:$0x3], $0x80, $0x38;
	[tilespmem:$0x9D00] =	vst v63  }
0x16d: {  	s0 =	simm.s32 $0x5CB8;
	s1 =	sadd.s32 $0x70, s30;
	s30 =	sadd.s32 $0x1000, s30  }
.LBB2_9:
0x16e: {  	[hbm4b:s1+s3] =	stream.linear.scatter [tilespmem:s0], [sflag:$0x3], $0x80, $0x38;
	[tilespmem:$0x9D00] =	vst v63  }
0x16f: {  	s0 =	smov.u32 s29;
	s1 =	smov.u32 s31  }
0x170: {  	s13 =	sadd.s32 $0x1100, s31;
	s29 =	sshra.s32 s1, $0x2;
	s1 =	sadd.s32 $0x5900, s0  }
0x171: {  	[hbm4b:s30+s3] =	stream.linear.scatter [tilespmem:s1], [sflag:$0x3], $0x80, $0x38;
	[tilespmem:$0x9D00] =	vst v63  }
0x172: {  	p1 =	sne.s32 s31, $0x7700;
	s31 =	sadd.s32 $0x10, s30;
	s1 =	sadd.s32 $0x5988, s0  }
0x173: {  	[hbm4b:s31+s3] =	stream.linear.scatter [tilespmem:s1], [sflag:$0x3], $0x80, $0x38;
	[tilespmem:$0x9D00] =	vst v63  }
0x174: {  	s1 =	sadd.s32 $0x5A10, s0;
	s31 =	sadd.s32 $0x20, s30  }
0x175: {  	[hbm4b:s31+s3] =	stream.linear.scatter [tilespmem:s1], [sflag:$0x3], $0x80, $0x38;
	[tilespmem:$0x9D00] =	vst v63  }
0x176: {  	s1 =	sadd.s32 $0x5A98, s0;
	s31 =	sadd.s32 $0x30, s30  }
0x177: {  	[hbm4b:s31+s3] =	stream.linear.scatter [tilespmem:s1], [sflag:$0x3], $0x80, $0x38;
	[tilespmem:$0x9D00] =	vst v63  }
0x178: {  	s1 =	sadd.s32 $0x5B20, s0;
	s31 =	sadd.s32 $0x40, s30  }
0x179: {  	[hbm4b:s31+s3] =	stream.linear.scatter [tilespmem:s1], [sflag:$0x3], $0x80, $0x38;
	[tilespmem:$0x9D00] =	vst v63  }
.Ltmp5:
0x17a: {  	s1 =	sadd.s32 $0x5BA8, s0;
	s31 =	sadd.s32 $0x50, s30;
	(pc) =	sbr.rel @p1 .LBB2_9-.Ltmp5, $4  }
0x17b: {  	[hbm4b:s31+s3] =	stream.linear.scatter [tilespmem:s1], [sflag:$0x3], $0x80, $0x38;
	[tilespmem:$0x9D00] =	vst v63  }
0x17c: {  	s1 =	sadd.s32 $0x5C30, s0;
	s31 =	sadd.s32 $0x60, s30;
	s0 =	sadd.s32 $0x5CB8, s0  }
0x17d: {  	[hbm4b:s31+s3] =	stream.linear.scatter [tilespmem:s1], [sflag:$0x3], $0x80, $0x38;
	[tilespmem:$0x9D00] =	vst v63  }
0x17e: {  	s1 =	sadd.s32 $0x70, s30;
	s30 =	sadd.s32 $0x1000, s30;
	s31 =	smov.u32 s13  }
0x17f: {  	[hbm4b:s1+s3] =	stream.linear.scatter [tilespmem:s0], [sflag:$0x3], $0x80, $0x38;
	[tilespmem:$0x9D00] =	vst v63  }
0x180: {  	s1 =	sadd.s32 $0x5900, s29  }
0x181: {  	[hbm4b:s30+s3] =	stream.linear.scatter [tilespmem:s1], [sflag:$0x3], $0x80, $0x38;
	[tilespmem:$0x9D00] =	vst v63  }
0x182: {  	s13 =	sadd.s32 $0x5988, s29;
	s31 =	sadd.s32 $0x10, s30  }
0x183: {  	[hbm4b:s31+s3] =	stream.linear.scatter [tilespmem:s13], [sflag:$0x3], $0x80, $0x38;
	[tilespmem:$0x9D00] =	vst v63  }
0x184: {  	s13 =	sadd.s32 $0x5A10, s29;
	s31 =	sadd.s32 $0x20, s30  }
0x185: {  	[hbm4b:s31+s3] =	stream.linear.scatter [tilespmem:s13], [sflag:$0x3], $0x80, $0x38;
	[tilespmem:$0x9D00] =	vst v63  }
0x186: {  	s13 =	sadd.s32 $0x5A98, s29;
	s31 =	sadd.s32 $0x30, s30  }
0x187: {  	[hbm4b:s31+s3] =	stream.linear.scatter [tilespmem:s13], [sflag:$0x3], $0x80, $0x38;
	[tilespmem:$0x9D00] =	vst v63  }
0x188: {  	s13 =	sadd.s32 $0x5B20, s29;
	s31 =	sadd.s32 $0x40, s30  }
0x189: {  	[hbm4b:s31+s3] =	stream.linear.scatter [tilespmem:s13], [sflag:$0x3], $0x80, $0x38;
	[tilespmem:$0x9D00] =	vst v63  }
0x18a: {  	s13 =	sadd.s32 $0x5BA8, s29;
	s31 =	sadd.s32 $0x50, s30  }
0x18b: {  	[hbm4b:s31+s3] =	stream.linear.scatter [tilespmem:s13], [sflag:$0x3], $0x80, $0x38;
	[tilespmem:$0x9D00] =	vst v63  }
0x18c: {  	p1 =	seq.s32 s25, $0x18;
	s13 =	sadd.s32 $0x5C30, s29;
	s31 =	sadd.s32 $0x60, s30  }
0x18d: {  	[hbm4b:s31+s3] =	stream.linear.scatter [tilespmem:s13], [sflag:$0x3], $0x80, $0x38;
	[tilespmem:$0x9D00] =	vst v63  }
0x18e: {  	s0 =	sshrl.u32 @!p1 s26, $0x2;
	s1 =	sadd.s32 $0x5CB8, s29;
	s13 =	sadd.s32 $0x70, s30  }
0x18f: {  	[hbm4b:s13+s3] =	stream.linear.scatter [tilespmem:s1], [sflag:$0x3], $0x80, $0x38;
	[tilespmem:$0x9D00] =	vst v63  }
0x190: {  	s0 =	sadd.s32 @!p1 $0x100, s0;
	s1 =	simm.s32 @!p1 $0x80;
	s13 =	simm.s32 @!p1 $0x1900  }
0x191: {  	[tilespmem:s13], [sflag:$0x1] =	stream.indirect.gather.add.f32 @!p1 [hbm:s4], $0x40, s0, s1, $0xb8;
	[tilespmem:$0x9D00] =	vst v63  }
0x192: {  	_ = 	snop  }
0x193: {  	[tilespmem:s13], [sflag:$0x1] =	stream.indirect.gather.add.f32 @!p1 [hbm:s5], $0x40, s0, s1, $0xb8;
	[tilespmem:$0x9D00] =	vst v63  }
0x194: {  	_ = 	snop  }
0x195: {  	[tilespmem:s13], [sflag:$0x1] =	stream.indirect.gather.add.f32 @!p1 [hbm:s6], $0x40, s0, s1, $0xb8;
	[tilespmem:$0x9D00] =	vst v63  }
0x196: {  	_ = 	snop  }
0x197: {  	[tilespmem:s13], [sflag:$0x1] =	stream.indirect.gather.add.f32 @!p1 [hbm:s7], $0x40, s0, s1, $0xb8;
	[tilespmem:$0x9D00] =	vst v63  }
0x198: {  	_ =	swait.ge [sflag:s19], $0x2000  }
0x199: {  	[sflag:s19] =	ssyncset.done $0x0  }
0x19a: {  	[sflag:s19] =	ssyncadd.s32 $0xFFFFE000  }
0x19b: {  	_ =	swait.ge [sflag:s19], $0x2000  }
0x19c: {  	[sflag:s19] =	ssyncset.done $0x0  }
0x19d: {  	[sflag:s19] =	ssyncadd.s32 $0xFFFFE000  }
0x19e: {  	_ =	swait.ge [sflag:s19], $0x2000  }
0x19f: {  	[sflag:s19] =	ssyncset.done $0x0  }
0x1a0: {  	[sflag:s19] =	ssyncadd.s32 $0xFFFFE000  }
0x1a1: {  	_ =	swait.ge [sflag:s19], $0x2000  }
0x1a2: {  	[sflag:s19] =	ssyncset.done $0x0  }
0x1a3: {  	s0 =	simm.s32 @!p0 $0x4;
	[sflag:s19] =	ssyncadd.s32 $0xFFFFE000  }
0x1a4: {  	_ =	swait.ge @!p0 [sflag:s0], $0x2000  }
0x1a5: {  	[sflag:s0] =	ssyncset.done @!p0 $0x0  }
0x1a6: {  	s29 =	simm.s32 $0x3980;
	s31 =	simm.s32 $0x0;
	[sflag:s0] =	ssyncadd.s32 @!p0 $0xFFFFE000  }
0x1a7: {  	v5 =	vmov s31;
	v6 =	vld [tilespmem:s29+$0xFFFFFF80]  }
0x1a8: {  	v5 =	vand.u32 $0x7C, v5  }
0x1a9: {  	v7 =	vadd.s32 v0, v5;
	_ =	sdelay $0x2  }
0x1aa: {  	v6 =	vmul.f32 $2.500000000e-01, v6  }
0x1ab: {  	[tilespmem:s29+$0xFFFFFF80] =	vst v1  }
0x1ac: {  	[tilespmem:v7+s20+$0x0] =	vst.idx.msk $0xffff, v6  }
0x1ad: {  	v6 =	vld [tilespmem:s29+$0xFFFFFF90];
	_ =	sdelay $0x1  }
0x1ae: {  	v7 =	vadd.s32 v2, v5;
	_ =	sdelay $0x2  }
0x1af: {  	v6 =	vmul.f32 $2.500000000e-01, v6  }
0x1b0: {  	[tilespmem:s29+$0xFFFFFF90] =	vst v1  }
0x1b1: {  	[tilespmem:v7+s20+$0x0] =	vst.idx.msk $0xffff, v6  }
0x1b2: {  	v6 =	vld [tilespmem:s29+$0xFFFFFFA0];
	_ =	sdelay $0x1  }
0x1b3: {  	v7 =	vadd.s32 v3, v5;
	_ =	sdelay $0x2  }
0x1b4: {  	v6 =	vmul.f32 $2.500000000e-01, v6  }
0x1b5: {  	[tilespmem:s29+$0xFFFFFFA0] =	vst v1  }
0x1b6: {  	[tilespmem:v7+s20+$0x0] =	vst.idx.msk $0xffff, v6  }
0x1b7: {  	v6 =	vld [tilespmem:s29+$0xFFFFFFB0];
	_ =	sdelay $0x1  }
0x1b8: {  	v5 =	vadd.s32 v4, v5;
	_ =	sdelay $0x2  }
0x1b9: {  	v6 =	vmul.f32 $2.500000000e-01, v6  }
0x1ba: {  	[tilespmem:s29+$0xFFFFFFB0] =	vst v1  }
0x1bb: {  	s1 =	simm.s32 $0x1;
	[tilespmem:v5+s20+$0x0] =	vst.idx.msk $0xffff, v6  }
0x1bc: {  	v5 =	vmov s1;
	v6 =	vld [tilespmem:s29+$0xFFFFFFC0]  }
0x1bd: {  	v5 =	vand.u32 $0x7D, v5  }
0x1be: {  	v7 =	vadd.s32 v0, v5;
	_ =	sdelay $0x2  }
0x1bf: {  	v6 =	vmul.f32 $2.500000000e-01, v6  }
0x1c0: {  	[tilespmem:s29+$0xFFFFFFC0] =	vst v1  }
0x1c1: {  	[tilespmem:v7+s20+$0x0] =	vst.idx.msk $0xffff, v6  }
0x1c2: {  	v6 =	vld [tilespmem:s29+$0xFFFFFFD0];
	_ =	sdelay $0x1  }
0x1c3: {  	v7 =	vadd.s32 v2, v5;
	_ =	sdelay $0x2  }
0x1c4: {  	v6 =	vmul.f32 $2.500000000e-01, v6  }
0x1c5: {  	[tilespmem:s29+$0xFFFFFFD0] =	vst v1  }
0x1c6: {  	[tilespmem:v7+s20+$0x0] =	vst.idx.msk $0xffff, v6  }
0x1c7: {  	v6 =	vld [tilespmem:s29+$0xFFFFFFE0];
	_ =	sdelay $0x1  }
0x1c8: {  	v7 =	vadd.s32 v3, v5;
	_ =	sdelay $0x2  }
0x1c9: {  	v6 =	vmul.f32 $2.500000000e-01, v6  }
0x1ca: {  	[tilespmem:s29+$0xFFFFFFE0] =	vst v1  }
0x1cb: {  	[tilespmem:v7+s20+$0x0] =	vst.idx.msk $0xffff, v6  }
0x1cc: {  	v6 =	vld [tilespmem:s29+$0xFFFFFFF0];
	_ =	sdelay $0x1  }
0x1cd: {  	v5 =	vadd.s32 v4, v5;
	_ =	sdelay $0x2  }
0x1ce: {  	v6 =	vmul.f32 $2.500000000e-01, v6  }
0x1cf: {  	[tilespmem:s29+$0xFFFFFFF0] =	vst v1  }
0x1d0: {  	s13 =	simm.s32 $0x2;
	[tilespmem:v5+s20+$0x0] =	vst.idx.msk $0xffff, v6  }
0x1d1: {  	v5 =	vmov s13;
	v6 =	vld [tilespmem:s29+$0x0]  }
0x1d2: {  	v5 =	vand.u32 $0x7E, v5  }
0x1d3: {  	v7 =	vadd.s32 v0, v5;
	_ =	sdelay $0x2  }
0x1d4: {  	v6 =	vmul.f32 $2.500000000e-01, v6  }
0x1d5: {  	[tilespmem:s29+$0x0] =	vst v1  }
0x1d6: {  	[tilespmem:v7+s20+$0x0] =	vst.idx.msk $0xffff, v6  }
0x1d7: {  	v6 =	vld [tilespmem:s29+$0x10];
	_ =	sdelay $0x1  }
0x1d8: {  	v7 =	vadd.s32 v2, v5;
	_ =	sdelay $0x2  }
0x1d9: {  	v6 =	vmul.f32 $2.500000000e-01, v6  }
0x1da: {  	[tilespmem:s29+$0x10] =	vst v1  }
0x1db: {  	[tilespmem:v7+s20+$0x0] =	vst.idx.msk $0xffff, v6  }
0x1dc: {  	v6 =	vld [tilespmem:s29+$0x20];
	_ =	sdelay $0x1  }
0x1dd: {  	v7 =	vadd.s32 v3, v5;
	_ =	sdelay $0x2  }
0x1de: {  	v6 =	vmul.f32 $2.500000000e-01, v6  }
0x1df: {  	[tilespmem:s29+$0x20] =	vst v1  }
0x1e0: {  	[tilespmem:v7+s20+$0x0] =	vst.idx.msk $0xffff, v6  }
0x1e1: {  	v6 =	vld [tilespmem:s29+$0x30];
	_ =	sdelay $0x1  }
0x1e2: {  	v5 =	vadd.s32 v4, v5;
	_ =	sdelay $0x2  }
0x1e3: {  	v6 =	vmul.f32 $2.500000000e-01, v6  }
0x1e4: {  	[tilespmem:s29+$0x30] =	vst v1  }
0x1e5: {  	s31 =	simm.s32 $0x3;
	[tilespmem:v5+s20+$0x0] =	vst.idx.msk $0xffff, v6  }
0x1e6: {  	v5 =	vmov s31;
	v6 =	vld [tilespmem:s29+$0x40]  }
0x1e7: {  	v5 =	vand.u32 $0x7F, v5  }
0x1e8: {  	v7 =	vadd.s32 v0, v5;
	_ =	sdelay $0x2  }
0x1e9: {  	v6 =	vmul.f32 $2.500000000e-01, v6  }
0x1ea: {  	[tilespmem:s29+$0x40] =	vst v1  }
0x1eb: {  	[tilespmem:v7+s20+$0x0] =	vst.idx.msk $0xffff, v6  }
0x1ec: {  	v6 =	vld [tilespmem:s29+$0x50];
	_ =	sdelay $0x1  }
0x1ed: {  	v7 =	vadd.s32 v2, v5;
	_ =	sdelay $0x2  }
0x1ee: {  	v6 =	vmul.f32 $2.500000000e-01, v6  }
0x1ef: {  	[tilespmem:s29+$0x50] =	vst v1  }
0x1f0: {  	[tilespmem:v7+s20+$0x0] =	vst.idx.msk $0xffff, v6  }
0x1f1: {  	v6 =	vld [tilespmem:s29+$0x60];
	_ =	sdelay $0x1  }
0x1f2: {  	v7 =	vadd.s32 v3, v5;
	_ =	sdelay $0x2  }
0x1f3: {  	v6 =	vmul.f32 $2.500000000e-01, v6  }
0x1f4: {  	[tilespmem:s29+$0x60] =	vst v1  }
0x1f5: {  	[tilespmem:v7+s20+$0x0] =	vst.idx.msk $0xffff, v6  }
0x1f6: {  	v6 =	vld [tilespmem:s29+$0x70];
	_ =	sdelay $0x1  }
0x1f7: {  	v5 =	vadd.s32 v4, v5;
	_ =	sdelay $0x2  }
0x1f8: {  	s30 =	simm.s32 $0x4;
	[tilespmem:s29+$0x70] =	vst v1;
	v6 =	vmul.f32 $2.500000000e-01, v6  }
.LBB2_11:
0x1f9: {  	p0 =	slt.u32 s30, $0x7C  }
0x1fa: {  	s29 =	sadd.s32 $0x100, s29;
	s31 =	smov.u32 s30;
	s30 =	sadd.s32 $0x4, s30;
	[tilespmem:v5+s20+$0x0] =	vst.idx.msk $0xffff, v6  }
0x1fb: {  	v5 =	vmov s31;
	v6 =	vld [tilespmem:s29+$0xFFFFFF80]  }
0x1fc: {  	v5 =	vand.u32 $0x7C, v5  }
0x1fd: {  	v7 =	vadd.s32 v0, v5;
	_ =	sdelay $0x2  }
0x1fe: {  	v6 =	vmul.f32 $2.500000000e-01, v6  }
0x1ff: {  	[tilespmem:s29+$0xFFFFFF80] =	vst v1  }
0x200: {  	[tilespmem:v7+s20+$0x0] =	vst.idx.msk $0xffff, v6  }
0x201: {  	v6 =	vld [tilespmem:s29+$0xFFFFFF90];
	_ =	sdelay $0x1  }
0x202: {  	v7 =	vadd.s32 v2, v5;
	_ =	sdelay $0x2  }
0x203: {  	v6 =	vmul.f32 $2.500000000e-01, v6  }
0x204: {  	[tilespmem:s29+$0xFFFFFF90] =	vst v1  }
0x205: {  	[tilespmem:v7+s20+$0x0] =	vst.idx.msk $0xffff, v6  }
0x206: {  	v6 =	vld [tilespmem:s29+$0xFFFFFFA0];
	_ =	sdelay $0x1  }
0x207: {  	v7 =	vadd.s32 v3, v5;
	_ =	sdelay $0x2  }
0x208: {  	v6 =	vmul.f32 $2.500000000e-01, v6  }
0x209: {  	[tilespmem:s29+$0xFFFFFFA0] =	vst v1  }
0x20a: {  	[tilespmem:v7+s20+$0x0] =	vst.idx.msk $0xffff, v6  }
0x20b: {  	v6 =	vld [tilespmem:s29+$0xFFFFFFB0];
	_ =	sdelay $0x1  }
0x20c: {  	v5 =	vadd.s32 v4, v5;
	_ =	sdelay $0x2  }
0x20d: {  	v6 =	vmul.f32 $2.500000000e-01, v6  }
0x20e: {  	[tilespmem:s29+$0xFFFFFFB0] =	vst v1  }
0x20f: {  	s0 =	sadd.s32 $0x1, s31;
	[tilespmem:v5+s20+$0x0] =	vst.idx.msk $0xffff, v6  }
0x210: {  	v5 =	vmov s0;
	v6 =	vld [tilespmem:s29+$0xFFFFFFC0]  }
0x211: {  	v5 =	vand.u32 $0x7D, v5  }
0x212: {  	v7 =	vadd.s32 v0, v5;
	_ =	sdelay $0x2  }
0x213: {  	v6 =	vmul.f32 $2.500000000e-01, v6  }
0x214: {  	[tilespmem:s29+$0xFFFFFFC0] =	vst v1  }
0x215: {  	[tilespmem:v7+s20+$0x0] =	vst.idx.msk $0xffff, v6  }
0x216: {  	v6 =	vld [tilespmem:s29+$0xFFFFFFD0];
	_ =	sdelay $0x1  }
0x217: {  	v7 =	vadd.s32 v2, v5;
	_ =	sdelay $0x2  }
0x218: {  	v6 =	vmul.f32 $2.500000000e-01, v6  }
0x219: {  	[tilespmem:s29+$0xFFFFFFD0] =	vst v1  }
0x21a: {  	[tilespmem:v7+s20+$0x0] =	vst.idx.msk $0xffff, v6  }
0x21b: {  	v6 =	vld [tilespmem:s29+$0xFFFFFFE0];
	_ =	sdelay $0x1  }
0x21c: {  	v7 =	vadd.s32 v3, v5;
	_ =	sdelay $0x2  }
0x21d: {  	v6 =	vmul.f32 $2.500000000e-01, v6  }
0x21e: {  	[tilespmem:s29+$0xFFFFFFE0] =	vst v1  }
0x21f: {  	[tilespmem:v7+s20+$0x0] =	vst.idx.msk $0xffff, v6  }
0x220: {  	v6 =	vld [tilespmem:s29+$0xFFFFFFF0];
	_ =	sdelay $0x1  }
0x221: {  	v5 =	vadd.s32 v4, v5;
	_ =	sdelay $0x2  }
0x222: {  	v6 =	vmul.f32 $2.500000000e-01, v6  }
0x223: {  	[tilespmem:s29+$0xFFFFFFF0] =	vst v1  }
0x224: {  	s0 =	sadd.s32 $0x2, s31;
	[tilespmem:v5+s20+$0x0] =	vst.idx.msk $0xffff, v6  }
0x225: {  	v5 =	vmov s0;
	v6 =	vld [tilespmem:s29+$0x0]  }
0x226: {  	v5 =	vand.u32 $0x7E, v5;
	[tilespmem:s29+$0x0] =	vst v1  }
0x227: {  	v7 =	vadd.s32 v0, v5;
	_ =	sdelay $0x2  }
0x228: {  	v6 =	vmul.f32 $2.500000000e-01, v6;
	_ =	sdelay $0x1  }
0x229: {  	[tilespmem:v7+s20+$0x0] =	vst.idx.msk $0xffff, v6  }
0x22a: {  	v6 =	vld [tilespmem:s29+$0x10]  }
0x22b: {  	[tilespmem:s29+$0x10] =	vst v1  }
0x22c: {  	v7 =	vadd.s32 v2, v5;
	_ =	sdelay $0x2  }
0x22d: {  	v6 =	vmul.f32 $2.500000000e-01, v6;
	_ =	sdelay $0x1  }
0x22e: {  	[tilespmem:v7+s20+$0x0] =	vst.idx.msk $0xffff, v6  }
0x22f: {  	v6 =	vld [tilespmem:s29+$0x20]  }
0x230: {  	[tilespmem:s29+$0x20] =	vst v1  }
0x231: {  	v7 =	vadd.s32 v3, v5;
	_ =	sdelay $0x2  }
0x232: {  	v6 =	vmul.f32 $2.500000000e-01, v6;
	_ =	sdelay $0x1  }
0x233: {  	[tilespmem:v7+s20+$0x0] =	vst.idx.msk $0xffff, v6  }
0x234: {  	v6 =	vld [tilespmem:s29+$0x30]  }
0x235: {  	[tilespmem:s29+$0x30] =	vst v1  }
0x236: {  	v5 =	vadd.s32 v4, v5;
	_ =	sdelay $0x2  }
0x237: {  	v6 =	vmul.f32 $2.500000000e-01, v6;
	_ =	sdelay $0x1  }
0x238: {  	s0 =	sadd.s32 $0x3, s31;
	[tilespmem:v5+s20+$0x0] =	vst.idx.msk $0xffff, v6  }
0x239: {  	v5 =	vmov s0;
	v6 =	vld [tilespmem:s29+$0x40]  }
0x23a: {  	v5 =	vand.u32 $0x7F, v5;
	[tilespmem:s29+$0x40] =	vst v1  }
0x23b: {  	v7 =	vadd.s32 v0, v5;
	_ =	sdelay $0x2  }
0x23c: {  	v6 =	vmul.f32 $2.500000000e-01, v6;
	_ =	sdelay $0x1  }
0x23d: {  	[tilespmem:v7+s20+$0x0] =	vst.idx.msk $0xffff, v6  }
0x23e: {  	v6 =	vld [tilespmem:s29+$0x50]  }
0x23f: {  	[tilespmem:s29+$0x50] =	vst v1  }
0x240: {  	v7 =	vadd.s32 v2, v5;
	_ =	sdelay $0x2  }
0x241: {  	v6 =	vmul.f32 $2.500000000e-01, v6;
	_ =	sdelay $0x1  }
0x242: {  	[tilespmem:v7+s20+$0x0] =	vst.idx.msk $0xffff, v6  }
0x243: {  	v6 =	vld [tilespmem:s29+$0x60]  }
0x244: {  	[tilespmem:s29+$0x60] =	vst v1  }
0x245: {  	v7 =	vadd.s32 v3, v5;
	_ =	sdelay $0x2  }
0x246: {  	v6 =	vmul.f32 $2.500000000e-01, v6;
	_ =	sdelay $0x1  }
0x247: {  	[tilespmem:v7+s20+$0x0] =	vst.idx.msk $0xffff, v6  }
0x248: {  	v6 =	vld [tilespmem:s29+$0x70]  }
.Ltmp6:
0x249: {  	[tilespmem:s29+$0x70] =	vst v1;
	(pc) =	sbr.rel @p0 .LBB2_11-.Ltmp6, $2  }
0x24a: {  	v5 =	vadd.s32 v4, v5;
	_ =	sdelay $0x2  }
0x24b: {  	v6 =	vmul.f32 $2.500000000e-01, v6  }
0x24c: {  	_ =	sdelay $0x3  }
0x24d: {  	s13 =	sadd.s32 s28, s10;
	s0 =	simm.s32 $0x7B00;
	[tilespmem:v5+s20+$0x0] =	vst.idx.msk $0xffff, v6  }
0x24e: {  	[hbm4b:s13+s3] =	stream.linear.scatter [tilespmem:s0], [sflag:$0x4], $0x80, $0x38;
	[tilespmem:$0x9D00] =	vst v63  }
0x24f: {  	s31 =	simm.s32 $0x7B88;
	s1 =	sadd.s32 $0x10, s13  }
0x250: {  	[hbm4b:s1+s3] =	stream.linear.scatter [tilespmem:s31], [sflag:$0x4], $0x80, $0x38;
	[tilespmem:$0x9D00] =	vst v63  }
0x251: {  	s1 =	simm.s32 $0x7C10;
	s31 =	sadd.s32 $0x20, s13  }
0x252: {  	[hbm4b:s31+s3] =	stream.linear.scatter [tilespmem:s1], [sflag:$0x4], $0x80, $0x38;
	[tilespmem:$0x9D00] =	vst v63  }
0x253: {  	s1 =	simm.s32 $0x7C98;
	s31 =	sadd.s32 $0x30, s13  }
0x254: {  	[hbm4b:s31+s3] =	stream.linear.scatter [tilespmem:s1], [sflag:$0x4], $0x80, $0x38;
	[tilespmem:$0x9D00] =	vst v63  }
0x255: {  	s1 =	simm.s32 $0x7D20;
	s31 =	sadd.s32 $0x40, s13  }
0x256: {  	[hbm4b:s31+s3] =	stream.linear.scatter [tilespmem:s1], [sflag:$0x4], $0x80, $0x38;
	[tilespmem:$0x9D00] =	vst v63  }
0x257: {  	s28 =	simm.s32 $0x440;
	s1 =	simm.s32 $0x7DA8;
	s31 =	sadd.s32 $0x50, s13  }
0x258: {  	[hbm4b:s31+s3] =	stream.linear.scatter [tilespmem:s1], [sflag:$0x4], $0x80, $0x38;
	[tilespmem:$0x9D00] =	vst v63  }
0x259: {  	s30 =	simm.s32 $0x2200;
	s1 =	simm.s32 $0x7E30;
	s31 =	sadd.s32 $0x60, s13  }
0x25a: {  	[hbm4b:s31+s3] =	stream.linear.scatter [tilespmem:s1], [sflag:$0x4], $0x80, $0x38;
	[tilespmem:$0x9D00] =	vst v63  }
0x25b: {  	s29 =	sadd.s32 $0x1000, s13;
	s0 =	simm.s32 $0x7EB8;
	s1 =	sadd.s32 $0x70, s13  }
.LBB2_13:
0x25c: {  	[hbm4b:s1+s3] =	stream.linear.scatter [tilespmem:s0], [sflag:$0x4], $0x80, $0x38;
	[tilespmem:$0x9D00] =	vst v63  }
0x25d: {  	s0 =	smov.u32 s28;
	s1 =	smov.u32 s30  }
0x25e: {  	s13 =	sadd.s32 $0x1100, s30;
	s28 =	sshra.s32 s1, $0x2;
	s1 =	sadd.s32 $0x7B00, s0  }
0x25f: {  	[hbm4b:s29+s3] =	stream.linear.scatter [tilespmem:s1], [sflag:$0x4], $0x80, $0x38;
	[tilespmem:$0x9D00] =	vst v63  }
0x260: {  	p0 =	sne.s32 s30, $0x7700;
	s30 =	sadd.s32 $0x10, s29;
	s1 =	sadd.s32 $0x7B88, s0  }
0x261: {  	[hbm4b:s30+s3] =	stream.linear.scatter [tilespmem:s1], [sflag:$0x4], $0x80, $0x38;
	[tilespmem:$0x9D00] =	vst v63  }
0x262: {  	s1 =	sadd.s32 $0x7C10, s0;
	s30 =	sadd.s32 $0x20, s29  }
0x263: {  	[hbm4b:s30+s3] =	stream.linear.scatter [tilespmem:s1], [sflag:$0x4], $0x80, $0x38;
	[tilespmem:$0x9D00] =	vst v63  }
0x264: {  	s1 =	sadd.s32 $0x7C98, s0;
	s30 =	sadd.s32 $0x30, s29  }
0x265: {  	[hbm4b:s30+s3] =	stream.linear.scatter [tilespmem:s1], [sflag:$0x4], $0x80, $0x38;
	[tilespmem:$0x9D00] =	vst v63  }
0x266: {  	s1 =	sadd.s32 $0x7D20, s0;
	s30 =	sadd.s32 $0x40, s29  }
0x267: {  	[hbm4b:s30+s3] =	stream.linear.scatter [tilespmem:s1], [sflag:$0x4], $0x80, $0x38;
	[tilespmem:$0x9D00] =	vst v63  }
.Ltmp7:
0x268: {  	s1 =	sadd.s32 $0x7DA8, s0;
	s30 =	sadd.s32 $0x50, s29;
	(pc) =	sbr.rel @p0 .LBB2_13-.Ltmp7, $4  }
0x269: {  	[hbm4b:s30+s3] =	stream.linear.scatter [tilespmem:s1], [sflag:$0x4], $0x80, $0x38;
	[tilespmem:$0x9D00] =	vst v63  }
0x26a: {  	s1 =	sadd.s32 $0x7E30, s0;
	s30 =	sadd.s32 $0x60, s29;
	s0 =	sadd.s32 $0x7EB8, s0  }
0x26b: {  	[hbm4b:s30+s3] =	stream.linear.scatter [tilespmem:s1], [sflag:$0x4], $0x80, $0x38;
	[tilespmem:$0x9D00] =	vst v63  }
0x26c: {  	s1 =	sadd.s32 $0x70, s29;
	s29 =	sadd.s32 $0x1000, s29;
	s30 =	smov.u32 s13  }
0x26d: {  	[hbm4b:s1+s3] =	stream.linear.scatter [tilespmem:s0], [sflag:$0x4], $0x80, $0x38;
	[tilespmem:$0x9D00] =	vst v63  }
0x26e: {  	s13 =	sadd.s32 $0x7B00, s28  }
0x26f: {  	[hbm4b:s29+s3] =	stream.linear.scatter [tilespmem:s13], [sflag:$0x4], $0x80, $0x38;
	[tilespmem:$0x9D00] =	vst v63  }
0x270: {  	s30 =	sadd.s32 $0x7B88, s28;
	s31 =	sadd.s32 $0x10, s29  }
0x271: {  	[hbm4b:s31+s3] =	stream.linear.scatter [tilespmem:s30], [sflag:$0x4], $0x80, $0x38;
	[tilespmem:$0x9D00] =	vst v63  }
0x272: {  	s1 =	sadd.s32 $0x7C10, s28;
	s13 =	sadd.s32 $0x20, s29  }
0x273: {  	[hbm4b:s13+s3] =	stream.linear.scatter [tilespmem:s1], [sflag:$0x4], $0x80, $0x38;
	[tilespmem:$0x9D00] =	vst v63  }
0x274: {  	s30 =	sadd.s32 $0x7C98, s28;
	s31 =	sadd.s32 $0x30, s29  }
0x275: {  	[hbm4b:s31+s3] =	stream.linear.scatter [tilespmem:s30], [sflag:$0x4], $0x80, $0x38;
	[tilespmem:$0x9D00] =	vst v63  }
0x276: {  	s1 =	sadd.s32 $0x7D20, s28;
	s13 =	sadd.s32 $0x40, s29  }
0x277: {  	[hbm4b:s13+s3] =	stream.linear.scatter [tilespmem:s1], [sflag:$0x4], $0x80, $0x38;
	[tilespmem:$0x9D00] =	vst v63  }
0x278: {  	s30 =	sadd.s32 $0x7DA8, s28;
	s31 =	sadd.s32 $0x50, s29  }
0x279: {  	[hbm4b:s31+s3] =	stream.linear.scatter [tilespmem:s30], [sflag:$0x4], $0x80, $0x38;
	[tilespmem:$0x9D00] =	vst v63  }
.Ltmp8:
0x27a: {  	_ = 	snop;
	(pc) =	sbr.rel @p1 .LBB2_16-.Ltmp8, $4  }
0x27b: {  	s1 =	sadd.s32 $0x7E30, s28;
	s13 =	sadd.s32 $0x60, s29  }
0x27c: {  	[hbm4b:s13+s3] =	stream.linear.scatter [tilespmem:s1], [sflag:$0x4], $0x80, $0x38;
	[tilespmem:$0x9D00] =	vst v63  }
0x27d: {  	s30 =	sadd.s32 $0x7EB8, s28;
	s31 =	sadd.s32 $0x70, s29  }
0x27e: {  	[hbm4b:s31+s3] =	stream.linear.scatter [tilespmem:s30], [sflag:$0x4], $0x80, $0x38;
	[tilespmem:$0x9D00] =	vst v63  }
0x27f: {  	s0 =	sshrl.u32 s26, $0x2  }
0x280: {  	s0 =	sadd.s32 $0x180, s0  }
0x281: {  	[tilespmem:s16], [sflag:$0x2] =	stream.indirect.gather.add.f32 [hbm:s4], $0x40, s0, s12, $0xb8;
	[tilespmem:$0x9D00] =	vst v63  }
0x282: {  	_ = 	snop  }
0x283: {  	[tilespmem:s16], [sflag:$0x2] =	stream.indirect.gather.add.f32 [hbm:s5], $0x40, s0, s12, $0xb8;
	[tilespmem:$0x9D00] =	vst v63  }
.Ltmp9:
0x284: {  	_ = 	snop;
	(pc) =	sbr.rel .LBB2_6-.Ltmp9, $4  }
0x285: {  	_ = 	snop  }
0x286: {  	[tilespmem:s16], [sflag:$0x2] =	stream.indirect.gather.add.f32 [hbm:s6], $0x40, s0, s12, $0xb8;
	[tilespmem:$0x9D00] =	vst v63  }
0x287: {  	s25 =	sadd.s32 $0x1, s25  }
0x288: {  	[tilespmem:s16], [sflag:$0x2] =	stream.indirect.gather.add.f32 [hbm:s7], $0x40, s0, s12, $0xb8;
	[tilespmem:$0x9D00] =	vst v63  }
.LBB2_17:
0x289: {  	_ =	sfence.sel $0x180000  }
0x28a: {  	[bflag:$0x0] =	sbarrier.arrive $0xFFFF  }
0x28b: {  	_ =	strace $0x90000047  }
0x28c: {  	s0 =	stileid.u32;
	[bflag:$0x2] =	sbarrier.arrive $0xFFFF  }
0x28d: {  	p0 =	sne.s32 s0, $0x0;
	s0 =	rddreg [dreg:$0x2]  }
0x28e: {  	s0 =	sadd.s32 @!p0 $0x100000, s0  }
0x28f: {  	[sflag:s0] =	ssyncadd.tile.s32 @!p0 $0x1;
	_ =	shalt  }
.Lfunc_end2:
_tile_overlayer_lowered:
.L_overlay_start_2:
0x290: {  	(tag) =	ssettag $0x2  }
0x291: {  	s0 =	rddreg [dreg:$0x0];
	s2 =	stileid.u32  }
0x292: {  	s1 =	rddreg [dreg:$0x1];
	p0 =	sne.s32 s2, $0x0  }
0x293: {  	s3 =	rddreg [dreg:$0x2];
	[bflag:$0x3] =	sbarrier.arrive $0xFFFF;
	s2 =	simm.s32 @!p0 $0x1C05  }
0x294: {  	[timem:s3], [sflag:s2] =	dma.local @!p0 [hbm:s0], s1  }
0x295: {  	s0 =	simm.s32 @!p0 $0x5  }
0x296: {  	_ =	swait.ge @!p0 [sflag:s0], s1  }
0x297: {  	s1 =	ssub.s32 @!p0 $0x0, s1;
	[sflag:s0] =	ssyncset.done @!p0 $0x0  }
0x298: {  	[sflag:s0] =	ssyncadd.s32 @!p0 s1  }
0x299: {  	[bflag:$0x3] =	sbarrier.arrive $0xFFFF  }
0x29a: {  	_ =	shalt  }

</sc_bundles>
